<compile_context>
chip_gen: v7x
topology: tpu7x:2x2x1
jax: 0.10.2.dev20260603
libtpu: 0.0.44.dev20260713+nightly
codegen_flags: <defaults>
</compile_context>

<pallas_src>
import functools

import jax
import jax.numpy as jnp
from jax import lax
from jax.experimental import pallas as pl
from jax.experimental.pallas import tpu as pltpu

F32 = jnp.float32
BF16 = jnp.bfloat16
HI = lax.Precision.HIGHEST


def _dot(a, b, dims, prec=None):
    return lax.dot_general(a, b, (dims, ((), ())), precision=prec,
                           preferred_element_type=F32)



def _xe_body(f_ref, w_ref, o_ref):
    o_ref[0] = _dot(f_ref[0], w_ref[0], ((1,), (0,)), HI)



def _enc_body(adj_ref, gn_ref, f_ref, lbl_ref, xe_ref, xea_ref,
              dw_ref, cw_ref, b_ref, h_ref, sn_ref, sl_ref, ft_ref,
              adj_scr, h_scr, hr_scr, har_scr, *, br):
    k = pl.program_id(0)
    ph = pl.program_id(1)
    i = pl.program_id(2)
    rows = pl.dslice(i * br, br)

    @pl.when(ph == 0)
    def _phase0():
        a = adj_ref[0].astype(BF16)
        adj_scr[rows, :] = a
        h = _dot(a, xe_ref[0].astype(BF16), ((1,), (0,)))
        ha = _dot(a, xea_ref[0].astype(BF16), ((1,), (0,)))
        h_ref[0] = h
        hr = jnp.maximum(h, 0.0)
        har = jnp.maximum(ha, 0.0)
        h_scr[rows, :] = h.astype(BF16)
        hr_scr[rows, :] = hr.astype(BF16)
        har_scr[rows, :] = har.astype(BF16)
        sn_ref[0, 0] = jnp.sum(h * h, axis=1)

    @pl.when(ph == 1)
    def _phase1():
        @pl.when((k == 0) & (i == 0))
        def _init():
            sl_ref[0, 0] = jnp.float32(0.0)
            ft_ref[0, 0] = jnp.float32(0.0)

        g32 = gn_ref[0]
        gb = g32.astype(BF16)
        ah = _dot(adj_scr[rows, :], h_scr[...], ((1,), (0,)))
        vs = _dot(gb, hr_scr[...], ((1,), (0,)))
        vsa = _dot(gb, har_scr[...], ((1,), (0,)))
        rs = jnp.sum(g32, axis=1)

        def readout(v):
            g = v / rs[:, None]
            nrm = jnp.sqrt(jnp.sum(g * g, axis=1, keepdims=True))
            g = g / jnp.maximum(nrm, 1e-12)
            return jax.nn.sigmoid(g)

        g = readout(vs)
        ga = readout(vsa)
        cwb = cw_ref[...].astype(BF16)
        t = _dot(hr_scr[rows, :], cwb, ((1,), (0,)))
        ta = _dot(har_scr[rows, :], cwb, ((1,), (0,)))
        b = b_ref[0, 0]
        sc1 = jnp.sum(t * g, axis=1) + b
        sc2 = jnp.sum(ta * g, axis=1) + b
        sc1a = jnp.sum(ta * ga, axis=1) + b
        sc2a = jnp.sum(t * ga, axis=1) + b
        l0 = lbl_ref[0, :, 0]
        l1 = lbl_ref[0, :, 1]

        def bce(x, tt):
            return jnp.sum(jnp.maximum(x, 0.0) - x * tt
                           + jnp.log1p(jnp.exp(-jnp.abs(x))))

        sl_ref[0, 0] += (bce(sc1, l0) + bce(sc2, l1)
                         + bce(sc1a, l0) + bce(sc2a, l1))
        out = _dot(ah.astype(BF16), dw_ref[0].astype(BF16), ((1,), (0,)))
        d = f_ref[0] - out
        ft_ref[0, 0] += jnp.sum(d * d)



def _sink_body(m_ref, h0_ref, h1_ref, sn0_ref, sn1_ref,
               cxy_ref, cyxt_ref, align_ref, spars_ref, marg_ref, bad_ref,
               a_scr, cs_scr, g_scr, *, nn, lt, brp):
    p = pl.program_id(0)
    i = pl.program_id(1)
    rows = pl.dslice(i * brp, brp)

    @pl.when(p == 0)
    def _p0():
        @pl.when(i == 0)
        def _():
            cs_scr[0:1] = jnp.zeros_like(cs_scr[0:1])
            mm = _dot(m_ref[...], m_ref[...], ((1,), (1,)), HI)
            g_scr[...] = _dot(h1_ref[0], mm, ((1,), (0,)), HI)

        c = _dot(h0_ref[0], g_scr[...], ((1,), (1,)), HI)
        c = c * (1.0 / jnp.sqrt(jnp.float32(lt)))
        m = jnp.max(c, axis=1, keepdims=True)
        e = jnp.exp(c - m)
        s = jnp.sum(e, axis=1, keepdims=True)
        a = e * (1.0 / (s * nn))
        rs = jnp.sum(a, axis=1, keepdims=True)
        a = a * (1.0 / (rs + 1e-8))
        a_scr[rows, :] = a
        cs_scr[0:1] += jnp.sum(a, axis=0, keepdims=True)

    def _mid(r):
        @pl.when(i == 0)
        def _():
            cs_scr[r + 1:r + 2] = jnp.zeros_like(cs_scr[0:1])

        a = a_scr[rows, :] * (1.0 / (cs_scr[r:r + 1] + 1e-8))
        rs = jnp.sum(a, axis=1, keepdims=True)
        a = a * (1.0 / (rs + 1e-8))
        a_scr[rows, :] = a
        cs_scr[r + 1:r + 2] += jnp.sum(a, axis=0, keepdims=True)

    @pl.when(p == 1)
    def _p1():
        _mid(0)

    @pl.when(p == 2)
    def _p2():
        _mid(1)

    @pl.when(p == 3)
    def _p3():
        cs3 = cs_scr[2:3]

        @pl.when(i == 0)
        def _():
            align_ref[0, 0] = jnp.float32(0.0)
            spars_ref[0, 0] = jnp.float32(0.0)
            c3 = cs3[0]
            q = c3 / (c3 + 1e-8)
            marg_ref[0, 0] = jnp.sum(q * (jnp.log(q + 1e-12) - (1.0 / nn)))
            bad_ref[0, 0] = jnp.sum((c3 == 0.0).astype(F32))

        a = a_scr[rows, :] * (1.0 / (cs3 + 1e-8))
        rsa = jnp.sum(a, axis=1, keepdims=True)
        cxy_ref[...] = (a * (1.0 / rsa)).astype(BF16)
        csa = cs3 / (cs3 + 1e-8)
        cyxt_ref[...] = (a * (1.0 / csa)).astype(BF16)
        bad_ref[0, 0] += jnp.sum((rsa == 0.0).astype(F32))
        d2 = (sn0_ref[0, 0][:, None] + sn1_ref[0, 0][None, :]
              - 2.0 * _dot(h0_ref[0], h1_ref[0], ((1,), (1,)), HI))
        cd = jnp.sqrt(jnp.maximum(d2, 0.0))
        align_ref[0, 0] += jnp.sum(a * cd)
        spars_ref[0, 0] += jnp.sum(a * jnp.log(a + 1e-10))



def _t1_body(d_ref, c_ref, o_ref):
    o_ref[...] = _dot(d_ref[...].astype(BF16), c_ref[...],
                      ((1,), (1,))).astype(BF16)


def _t2_body(d_ref, c_ref, o_ref):
    o_ref[...] = _dot(d_ref[...].astype(BF16), c_ref[...],
                      ((1,), (0,))).astype(BF16)


def _p1_body(c_ref, t_ref, d0_ref, f1_ref, f0_ref, ssq_ref, mse_ref):
    @pl.when(pl.program_id(0) == 0)
    def _init():
        ssq_ref[0, 0] = jnp.float32(0.0)
        mse_ref[0, 0] = jnp.float32(0.0)

    p = _dot(c_ref[...], t_ref[...], ((1,), (0,)))
    d = d0_ref[...] - p
    ssq_ref[0, 0] += jnp.sum(d * d)
    e = f0_ref[...] - _dot(c_ref[...], f1_ref[...], ((1,), (0,)))
    mse_ref[0, 0] += jnp.sum(e * e)


def _p2_body(ct_ref, t_ref, d1_ref, f0_ref, f1_ref, ssq_ref, mse_ref):
    @pl.when(pl.program_id(0) == 0)
    def _init():
        ssq_ref[0, 0] = jnp.float32(0.0)
        mse_ref[0, 0] = jnp.float32(0.0)

    p = _dot(ct_ref[...], t_ref[...], ((0,), (0,)))
    d = d1_ref[...] - p
    ssq_ref[0, 0] += jnp.sum(d * d)
    e = f1_ref[...] - _dot(ct_ref[...], f0_ref[...], ((0,), (0,)))
    mse_ref[0, 0] += jnp.sum(e * e)


def _scalar_spec():
    return pl.BlockSpec(memory_space=pltpu.SMEM)


def _heavy_losses(cxy_bf, cyxt_bf, f0, f1, d0, d1):
    n, fd = f0.shape
    bm = min(512, n)
    grid = (n // bm,)
    f0_bf = f0.astype(BF16)
    f1_bf = f1.astype(BF16)

    t1 = pl.pallas_call(
        _t1_body, grid=grid,
        in_specs=[pl.BlockSpec((bm, n), lambda i: (i, 0)),
                  pl.BlockSpec((n, n), lambda i: (0, 0))],
        out_specs=pl.BlockSpec((bm, n), lambda i: (i, 0)),
        out_shape=jax.ShapeDtypeStruct((n, n), BF16))(d1, cxy_bf)

    ssq1, mse1 = pl.pallas_call(
        _p1_body, grid=grid,
        in_specs=[pl.BlockSpec((bm, n), lambda i: (i, 0)),
                  pl.BlockSpec((n, n), lambda i: (0, 0)),
                  pl.BlockSpec((bm, n), lambda i: (i, 0)),
                  pl.BlockSpec((n, fd), lambda i: (0, 0)),
                  pl.BlockSpec((bm, fd), lambda i: (i, 0))],
        out_specs=[_scalar_spec(), _scalar_spec()],
        out_shape=[jax.ShapeDtypeStruct((1, 1), F32),
                   jax.ShapeDtypeStruct((1, 1), F32)])(
        cxy_bf, t1, d0, f1_bf, f0)

    t2 = pl.pallas_call(
        _t2_body, grid=grid,
        in_specs=[pl.BlockSpec((bm, n), lambda i: (i, 0)),
                  pl.BlockSpec((n, n), lambda i: (0, 0))],
        out_specs=pl.BlockSpec((bm, n), lambda i: (i, 0)),
        out_shape=jax.ShapeDtypeStruct((n, n), BF16))(d0, cyxt_bf)

    ssq2, mse2 = pl.pallas_call(
        _p2_body, grid=grid,
        in_specs=[pl.BlockSpec((n, bm), lambda i: (0, i)),
                  pl.BlockSpec((n, n), lambda i: (0, 0)),
                  pl.BlockSpec((bm, n), lambda i: (i, 0)),
                  pl.BlockSpec((n, fd), lambda i: (0, 0)),
                  pl.BlockSpec((bm, fd), lambda i: (i, 0))],
        out_specs=[_scalar_spec(), _scalar_spec()],
        out_shape=[jax.ShapeDtypeStruct((1, 1), F32),
                   jax.ShapeDtypeStruct((1, 1), F32)])(
        cyxt_bf, t2, d1, f0_bf, f1)

    la_fix = (mse1[0, 0] + mse2[0, 0]) / jnp.float32(n * fd)
    l_maint = (jnp.sqrt(ssq1[0, 0]) + jnp.sqrt(ssq2[0, 0])) / jnp.float32(n)
    return la_fix, l_maint


def kernel(feature_set, spot_feature_set, adj_set, graph_neigh_set,
           label_CSL_set, dist_mat_set, enc_w, dec_w, disc_w, disc_b, Ms):
    del spot_feature_set
    kb, n, fd = feature_set.shape
    lt = enc_w.shape[-1]
    br = min(512, n)
    ni = n // br
    brp = min(512, n)
    nip = n // brp
    m0 = Ms[0]
    b2 = jnp.reshape(disc_b, (1, 1)).astype(F32)

    xe = pl.pallas_call(
        _xe_body, grid=(kb,),
        in_specs=[pl.BlockSpec((1, n, fd), lambda k: (k, 0, 0)),
                  pl.BlockSpec((1, fd, lt), lambda k: (k, 0, 0))],
        out_specs=pl.BlockSpec((1, n, lt), lambda k: (k, 0, 0)),
        out_shape=jax.ShapeDtypeStruct((kb, n, lt), F32))(feature_set, enc_w)
    perm = jax.random.permutation(jax.random.key(42), n)
    xea = jnp.take(xe, perm, axis=1)

    ni1 = ni - 1

    def _ph0_in(k, ph, i):
        return (k, jnp.where(ph == 0, i, ni1), 0)

    def _ph1_in(k, ph, i):
        return (k, jnp.where(ph == 1, i, 0), 0)

    h, sn, sl_raw, ft_raw = pl.pallas_call(
        functools.partial(_enc_body, br=br),
        grid=(kb, 2, ni),
        in_specs=[pl.BlockSpec((1, br, n), _ph0_in),
                  pl.BlockSpec((1, br, n), _ph1_in),
                  pl.BlockSpec((1, br, fd), _ph1_in),
                  pl.BlockSpec((1, br, 2), _ph1_in),
                  pl.BlockSpec((1, n, lt), lambda k, ph, i: (k, 0, 0)),
                  pl.BlockSpec((1, n, lt), lambda k, ph, i: (k, 0, 0)),
                  pl.BlockSpec((1, lt, fd), lambda k, ph, i: (k, 0, 0)),
                  pl.BlockSpec((lt, lt), lambda k, ph, i: (0, 0)),
                  _scalar_spec()],
        out_specs=[pl.BlockSpec((1, br, lt), _ph0_in),
                   pl.BlockSpec((1, 1, br),
                                lambda k, ph, i:
                                (k, 0, jnp.where(ph == 0, i, ni1))),
                   _scalar_spec(), _scalar_spec()],
        out_shape=[jax.ShapeDtypeStruct((kb, n, lt), F32),
                   jax.ShapeDtypeStruct((kb, 1, n), F32),
                   jax.ShapeDtypeStruct((1, 1), F32),
                   jax.ShapeDtypeStruct((1, 1), F32)],
        scratch_shapes=[pltpu.VMEM((n, n), BF16),
                        pltpu.VMEM((n, lt), BF16),
                        pltpu.VMEM((n, lt), BF16),
                        pltpu.VMEM((n, lt), BF16)])(
        adj_set, graph_neigh_set, feature_set, label_CSL_set, xe, xea,
        dec_w, disc_w, b2)

    def _out_map(p, i):
        return (jnp.where(p == 3, i, 0), 0)

    cxy_bf, cyxt_bf, align_raw, spars_raw, marg_raw, bad = pl.pallas_call(
        functools.partial(_sink_body, nn=float(n), lt=lt, brp=brp),
        grid=(4, nip),
        in_specs=[pl.BlockSpec((lt, lt), lambda p, i: (0, 0)),
                  pl.BlockSpec((1, brp, lt), lambda p, i: (0, i, 0)),
                  pl.BlockSpec((1, n, lt), lambda p, i: (1, 0, 0)),
                  pl.BlockSpec((1, 1, brp), lambda p, i: (0, 0, i)),
                  pl.BlockSpec((1, 1, n), lambda p, i: (1, 0, 0))],
        out_specs=[pl.BlockSpec((brp, n), _out_map),
                   pl.BlockSpec((brp, n), _out_map),
                   _scalar_spec(), _scalar_spec(), _scalar_spec(),
                   _scalar_spec()],
        out_shape=[jax.ShapeDtypeStruct((n, n), BF16),
                   jax.ShapeDtypeStruct((n, n), BF16),
                   jax.ShapeDtypeStruct((1, 1), F32),
                   jax.ShapeDtypeStruct((1, 1), F32),
                   jax.ShapeDtypeStruct((1, 1), F32),
                   jax.ShapeDtypeStruct((1, 1), F32)],
        scratch_shapes=[pltpu.VMEM((n, n), F32),
                        pltpu.VMEM((8, n), F32),
                        pltpu.VMEM((n, lt), F32)])(
        m0, h, h, sn, sn)

    f0 = feature_set[0]
    f1 = feature_set[1]
    d0 = dist_mat_set[0]
    d1 = dist_mat_set[1]

    la_fix, l_maint = lax.cond(
        bad[0, 0] > 0.0,
        lambda ops: (jnp.float32(jnp.nan), jnp.float32(jnp.nan)),
        lambda ops: _heavy_losses(*ops),
        (cxy_bf, cyxt_bf, f0, f1, d0, d1))

    nf = jnp.float32(n)
    loss_sl = sl_raw[0, 0] / (nf * 2.0)
    loss_feat = ft_raw[0, 0] / (nf * jnp.float32(fd))
    loss_align = align_raw[0, 0]
    kl_pq = marg_raw[0, 0] / nf
    p = 1.0 / nf
    kl_pp = p * (jnp.log(p + 1e-12) - p)
    loss_marginal = (kl_pq - kl_pp) * nf
    loss_sparsity = -spars_raw[0, 0]
    return jnp.stack([loss_sl, loss_feat, loss_align, la_fix, l_maint,
                      loss_marginal, loss_sparsity])

# --- scband reference (transcript-rebuilt; emitter-appended) ---
"""Pipeline reference for scband-jadealign-encoder-42941083025549 (READ-ONLY COPY).

The authoritative reference and input builder live on the scoring server;
editing this copy changes nothing except your own understanding.
"""

import jax, jax.numpy as jnp
import numpy as np

N_BATCH = 2
N = 2048
IN_DIM = 512
LATENT = 128
MAX_ITER = 3


def _xavier(key, shape):
    fan_in, fan_out = shape[-2], shape[-1]
    lim = float(np.sqrt(6.0 / (fan_in + fan_out)))
    return jax.random.uniform(key, shape, jnp.float32, -lim, lim)


def setup_inputs(seed: int = 0) -> dict:
    key = jax.random.key(seed)
    ks = jax.random.split(key, 12)
    return {
        "feature_set": jax.random.normal(ks[0], (N_BATCH, N, IN_DIM), jnp.float32),
        "spot_feature_set": jax.random.normal(ks[1], (N_BATCH, N, LATENT), jnp.float32),
        "adj_set": jax.random.uniform(ks[2], (N_BATCH, N, N), jnp.float32),
        "graph_neigh_set": jax.random.uniform(ks[3], (N_BATCH, N, N), jnp.float32),
        "label_CSL_set": jax.random.uniform(ks[4], (N_BATCH, N, 2), jnp.float32),
        "dist_mat_set": jax.random.uniform(ks[5], (N_BATCH, N, N), jnp.float32),
        "enc_w": _xavier(ks[6], (N_BATCH, IN_DIM, LATENT)),
        "dec_w": _xavier(ks[7], (N_BATCH, LATENT, IN_DIM)),
        "disc_w": _xavier(ks[8], (LATENT, LATENT)),
        "disc_b": jnp.zeros((1,), jnp.float32),
        "Ms": _xavier(ks[9], (N_BATCH - 1, LATENT, LATENT)),
    }


def _l2_normalize(x, eps=1e-12):
    n = jnp.sqrt(jnp.sum(x * x, axis=1, keepdims=True))
    return x / jnp.maximum(n, eps)


def _avg_readout(emb, mask):
    vsum = mask @ emb
    row_sum = jnp.sum(mask, axis=1)
    g = vsum / row_sum[:, None]
    return _l2_normalize(g)


def _bilinear(a, c, w, b):
    return jnp.sum((a @ w) * c, axis=1, keepdims=True) + b


def _disc(c, h_pl, h_mi, w, b):
    sc1 = _bilinear(h_pl, c, w, b)
    sc2 = _bilinear(h_mi, c, w, b)
    return jnp.concatenate([sc1, sc2], axis=1)


def _bce_logits(x, t):
    return jnp.mean(jnp.maximum(x, 0.0) - x * t + jnp.log1p(jnp.exp(-jnp.abs(x))))


def _mse(a, b):
    return jnp.mean((a - b) ** 2)


def _cdist(a, b):
    d2 = jnp.sum(a * a, axis=1)[:, None] + jnp.sum(b * b, axis=1)[None, :] - 2.0 * (a @ b.T)
    return jnp.sqrt(jnp.maximum(d2, 0.0))


def _sinkhorn(P, n_iter=MAX_ITER):
    for _ in range(n_iter):
        P = P / (jnp.sum(P, axis=1, keepdims=True) + 1e-8)
        P = P / (jnp.sum(P, axis=0, keepdims=True) + 1e-8)
    return P


def _kl_div(inp, tgt):
    # torch F.kl_div(input, target, reduction='mean') = mean(target * (log(target) - input))
    return jnp.mean(tgt * (jnp.log(tgt + 1e-12) - inp))


def _forward(feature_set, spot_feature_set, adj_set, graph_neigh_set, label_CSL_set,
             dist_mat_set, enc_w, dec_w, disc_w, disc_b, Ms):
    n_nodes = feature_set.shape[1]
    perm = jax.random.permutation(jax.random.key(42), n_nodes)
    hs, outs, rets, ret_as = [], [], [], []
    for k in range(N_BATCH):
        x = feature_set[k]
        adj = adj_set[k]
        gn = graph_neigh_set[k]
        h = adj @ (x @ enc_w[k])
        out = adj @ (h @ dec_w[k])
        x_a = x[perm]
        h_a = adj @ (x_a @ enc_w[k])
        h_relu = jax.nn.relu(h)
        h_a_relu = jax.nn.relu(h_a)
        g = jax.nn.sigmoid(_avg_readout(h_relu, gn))
        g_a = jax.nn.sigmoid(_avg_readout(h_a_relu, gn))
        ret = _disc(g, h_relu, h_a_relu, disc_w, disc_b)
        ret_a = _disc(g_a, h_a_relu, h_relu, disc_w, disc_b)
        hs.append(h)
        outs.append(out)
        rets.append(ret)
        ret_as.append(ret_a)
    loss_sl = 0.0
    loss_feat = 0.0
    loss_align = 0.0
    loss_align_fix = 0.0
    loss_maintain = 0.0
    loss_marginal = 0.0
    loss_sparsity = 0.0
    for k in range(N_BATCH):
        loss_sl = loss_sl + _bce_logits(rets[k], label_CSL_set[k]) + _bce_logits(ret_as[k], label_CSL_set[k])
        loss_feat = loss_feat + _mse(feature_set[k], outs[k])
        if k > 0:
            src = hs[k - 1]
            tgt = hs[k]
            M = Ms[k - 1]
            C = src @ M @ M.T @ tgt.T / jnp.sqrt(jnp.float32(M.shape[0]))
            unnorm = jax.nn.softmax(C, axis=1) / feature_set[k - 1].shape[0]
            A = _sinkhorn(unnorm)
            cxy = A / jnp.sum(A, axis=1, keepdims=True)
            cyx = A.T / jnp.sum(A.T, axis=1, keepdims=True)
            loss_align = loss_align + jnp.sum(A * _cdist(src, tgt))
            loss_align_fix = loss_align_fix + _mse(feature_set[k - 1], cxy @ feature_set[k]) + _mse(feature_set[k], cyx @ feature_set[k - 1])
            diff1 = dist_mat_set[k - 1] - cxy @ (dist_mat_set[k] @ cxy.T)
            diff2 = dist_mat_set[k] - cyx @ (dist_mat_set[k - 1] @ cyx.T)
            n_prev = feature_set[k - 1].shape[0]
            n_cur = feature_set[k].shape[0]
            loss_maintain = loss_maintain + jnp.linalg.norm(diff1) / n_prev + jnp.linalg.norm(diff2) / n_cur
            p = jnp.ones((n_cur,), jnp.float32) / n_cur
            q = jnp.ones((n_prev,), jnp.float32) @ A
            loss_marginal = loss_marginal + (_kl_div(p, q) - _kl_div(p, p)) * n_cur
            loss_sparsity = loss_sparsity + (-jnp.sum(A * jnp.log(A + 1e-10)))
    return jnp.stack([loss_sl, loss_feat, loss_align, loss_align_fix, loss_maintain, loss_marginal, loss_sparsity])


def reference(feature_set, spot_feature_set, adj_set, graph_neigh_set, label_CSL_set,
              dist_mat_set, enc_w, dec_w, disc_w, disc_b, Ms):
    return _forward(feature_set, spot_feature_set, adj_set, graph_neigh_set,
                    label_CSL_set, dist_mat_set, enc_w, dec_w, disc_w, disc_b, Ms)

if __name__ == "__main__":
    import jax
    _d = setup_inputs()
    print(jax.jit(kernel)(*tuple(_d.values())))

</pallas_src>

<mosaic_0001>
module attributes {stable_mosaic.version = 14 : i64} {
  func.func @_xe_body(%arg0: i32, %arg1: memref<1x2048x512xf32, #tpu.memory_space<vmem>>, %arg2: memref<1x512x128xf32, #tpu.memory_space<vmem>>, %arg3: memref<1x2048x128xf32, #tpu.memory_space<vmem>>) attributes {dimension_semantics = [#tpu.dimension_semantics<arbitrary>], iteration_bounds = array<i64: 2>, scalar_prefetch = 0 : i64, scratch_operands = 0 : i64, tpu.core_type = #tpu.core_type<tc>, window_params = [{transform_indices = @transform_0, window_bounds = array<i64: 1, 2048, 512>}, {transform_indices = @transform_1, window_bounds = array<i64: 1, 512, 128>}, {transform_indices = @transform_2, window_bounds = array<i64: 1, 2048, 128>}]} {
    %get3A = arith.constant 0 : index
    %get3A_0 = arith.constant 0 : index
    %get3A_1 = arith.constant 0 : index
    %get3A_2 = vector.load %arg1[%get3A, %get3A_0, %get3A_1] : memref<1x2048x512xf32, #tpu.memory_space<vmem>>, vector<1x2048x512xf32>
    %get3A_3 = vector.shape_cast %get3A_2 : vector<1x2048x512xf32> to vector<2048x512xf32>
    %get3A_4 = arith.constant 0 : index
    %get3A_5 = arith.constant 0 : index
    %get3A_6 = arith.constant 0 : index
    %get3A_7 = vector.load %arg2[%get3A_4, %get3A_5, %get3A_6] : memref<1x512x128xf32, #tpu.memory_space<vmem>>, vector<1x512x128xf32>
    %get3A_8 = vector.shape_cast %get3A_7 : vector<1x512x128xf32> to vector<512x128xf32>
    %dot_general3A = arith.constant dense<0.000000e+00> : vector<2048x128xf32>
    %dot_general3A_9 = tpu.matmul %get3A_3, %get3A_8, %dot_general3A {dimension_numbers = #tpu.dot_dimension_numbers<[1], [0], [0], [1], [0, 0, 1, 1], [], []>, precision = #tpu.contract_precision<fp32>, transpose_lhs_hint = false} : vector<2048x512xf32>, vector<512x128xf32>, vector<2048x128xf32> -> vector<2048x128xf32>
    %swap3A = arith.constant 0 : index
    %swap3A_10 = arith.constant 0 : index
    %swap3A_11 = arith.constant 0 : index
    %swap3A_12 = vector.load %arg3[%swap3A, %swap3A_10, %swap3A_11] : memref<1x2048x128xf32, #tpu.memory_space<vmem>>, vector<1x2048x128xf32>
    %swap3A_13 = vector.shape_cast %swap3A_12 : vector<1x2048x128xf32> to vector<2048x128xf32>
    %swap3A_14 = vector.shape_cast %dot_general3A_9 : vector<2048x128xf32> to vector<1x2048x128xf32>
    tpu.vector_store %arg3[%swap3A, %swap3A_10, %swap3A_11], %swap3A_14 {strides = array<i32>} : memref<1x2048x128xf32, #tpu.memory_space<vmem>>, vector<1x2048x128xf32>,
    return
  }
  func.func @transform_0(%arg0: i32) -> (i32, i32, i32) {
    %c0_i32 = arith.constant 0 : i32
    %c0_i32_0 = arith.constant 0 : i32
    %c0_i32_1 = arith.constant 0 : i32
    return %arg0, %c0_i32, %c0_i32_0 : i32, i32, i32
  }
  func.func @transform_1(%arg0: i32) -> (i32, i32, i32) {
    %c0_i32 = arith.constant 0 : i32
    %c0_i32_0 = arith.constant 0 : i32
    %c0_i32_1 = arith.constant 0 : i32
    return %arg0, %c0_i32, %c0_i32_0 : i32, i32, i32
  }
  func.func @transform_2(%arg0: i32) -> (i32, i32, i32) {
    %c0_i32 = arith.constant 0 : i32
    %c0_i32_0 = arith.constant 0 : i32
    %c0_i32_1 = arith.constant 0 : i32
    return %arg0, %c0_i32, %c0_i32_0 : i32, i32, i32
  }
}

module attributes {stable_mosaic.version = 14 : i64} {
  func.func @_enc_body(%arg0: i32, %arg1: i32, %arg2: i32, %arg3: memref<1x512x2048xf32, #tpu.memory_space<vmem>>, %arg4: memref<1x512x2048xf32, #tpu.memory_space<vmem>>, %arg5: memref<1x512x512xf32, #tpu.memory_space<vmem>>, %arg6: memref<1x512x2xf32, #tpu.memory_space<vmem>>, %arg7: memref<1x2048x128xf32, #tpu.memory_space<vmem>>, %arg8: memref<1x2048x128xf32, #tpu.memory_space<vmem>>, %arg9: memref<1x128x512xf32, #tpu.memory_space<vmem>>, %arg10: memref<128x128xf32, #tpu.memory_space<vmem>>, %arg11: memref<1x1xf32, #tpu.memory_space<smem>>, %arg12: memref<1x512x128xf32, #tpu.memory_space<vmem>>, %arg13: memref<1x1x512xf32, #tpu.memory_space<vmem>>, %arg14: memref<1x1xf32, #tpu.memory_space<smem>>, %arg15: memref<1x1xf32, #tpu.memory_space<smem>>, %arg16: memref<2048x2048xbf16, #tpu.memory_space<vmem>>, %arg17: memref<2048x128xbf16, #tpu.memory_space<vmem>>, %arg18: memref<2048x128xbf16, #tpu.memory_space<vmem>>, %arg19: memref<2048x128xbf16, #tpu.memory_space<vmem>>) attributes {dimension_semantics = [#tpu.dimension_semantics<arbitrary>, #tpu.dimension_semantics<arbitrary>, #tpu.dimension_semantics<arbitrary>], iteration_bounds = array<i64: 2, 2, 4>, scalar_prefetch = 0 : i64, scratch_operands = 4 : i64, tpu.core_type = #tpu.core_type<tc>, window_params = [{transform_indices = @transform_0, window_bounds = array<i64: 1, 512, 2048>}, {transform_indices = @transform_1, window_bounds = array<i64: 1, 512, 2048>}, {transform_indices = @transform_2, window_bounds = array<i64: 1, 512, 512>}, {transform_indices = @transform_3, window_bounds = array<i64: 1, 512, 2>}, {transform_indices = @transform_4, window_bounds = array<i64: 1, 2048, 128>}, {transform_indices = @transform_5, window_bounds = array<i64: 1, 2048, 128>}, {transform_indices = @transform_6, window_bounds = array<i64: 1, 128, 512>}, {pipeline_mode = #tpu.pipeline_mode<synchronous>, transform_indices = @transform_7, window_bounds = array<i64: 128, 128>}, {transform_indices = @transform_8, window_bounds = array<i64: 1, 1>}, {transform_indices = @transform_9, window_bounds = array<i64: 1, 512, 128>}, {transform_indices = @transform_10, window_bounds = array<i64: 1, 1, 512>}, {transform_indices = @transform_11, window_bounds = array<i64: 1, 1>}, {transform_indices = @transform_12, window_bounds = array<i64: 1, 1>}]} {
    %mul3A = arith.constant 512 : i32
    %mul3A_0 = arith.muli %arg2, %mul3A : i32
    %eq3A = arith.constant 0 : i32
    %eq3A_1 = arith.cmpi eq, %arg1, %eq3A : i32
    %convert_element_type3A = arith.extui %eq3A_1 : i1 to i32
    %cond3A = arith.constant 0 : i32
    %cond3A_2 = arith.cmpi ne, %convert_element_type3A, %cond3A : i32
    scf.if %cond3A_2 {
      %get3A = arith.constant 0 : index
      %get3A_8 = arith.constant 0 : index
      %get3A_9 = arith.constant 0 : index
      %get3A_10 = vector.load %arg3[%get3A, %get3A_8, %get3A_9] : memref<1x512x2048xf32, #tpu.memory_space<vmem>>, vector<1x512x2048xf32>
      %get3A_11 = vector.shape_cast %get3A_10 : vector<1x512x2048xf32> to vector<512x2048xf32>
      %convert_element_type3A_12 = arith.truncf %get3A_11 : vector<512x2048xf32> to vector<512x2048xbf16>
      %swap3A = arith.index_cast %mul3A_0 : i32 to index
      %swap3A_13 = arith.constant 0 : index
      %swap3A_14 = vector.load %arg16[%swap3A, %swap3A_13] : memref<2048x2048xbf16, #tpu.memory_space<vmem>>, vector<512x2048xbf16>
      tpu.vector_store %arg16[%swap3A, %swap3A_13], %convert_element_type3A_12 {strides = array<i32>} : memref<2048x2048xbf16, #tpu.memory_space<vmem>>, vector<512x2048xbf16>,
      %get3A_15 = arith.constant 0 : index
      %get3A_16 = arith.constant 0 : index
      %get3A_17 = arith.constant 0 : index
      %get3A_18 = vector.load %arg7[%get3A_15, %get3A_16, %get3A_17] : memref<1x2048x128xf32, #tpu.memory_space<vmem>>, vector<1x2048x128xf32>
      %get3A_19 = vector.shape_cast %get3A_18 : vector<1x2048x128xf32> to vector<2048x128xf32>
      %convert_element_type3A_20 = arith.truncf %get3A_19 : vector<2048x128xf32> to vector<2048x128xbf16>
      %dot_general3A = arith.constant dense<0.000000e+00> : vector<512x128xf32>
      %dot_general3A_21 = tpu.matmul %convert_element_type3A_12, %convert_element_type3A_20, %dot_general3A {dimension_numbers = #tpu.dot_dimension_numbers<[1], [0], [0], [1], [0, 0, 1, 1], [], []>, transpose_lhs_hint = false} : vector<512x2048xbf16>, vector<2048x128xbf16>, vector<512x128xf32> -> vector<512x128xf32>
      %get3A_22 = arith.constant 0 : index
      %get3A_23 = arith.constant 0 : index
      %get3A_24 = arith.constant 0 : index
      %get3A_25 = vector.load %arg8[%get3A_22, %get3A_23, %get3A_24] : memref<1x2048x128xf32, #tpu.memory_space<vmem>>, vector<1x2048x128xf32>
      %get3A_26 = vector.shape_cast %get3A_25 : vector<1x2048x128xf32> to vector<2048x128xf32>
      %convert_element_type3A_27 = arith.truncf %get3A_26 : vector<2048x128xf32> to vector<2048x128xbf16>
      %dot_general3A_28 = arith.constant dense<0.000000e+00> : vector<512x128xf32>
      %dot_general3A_29 = tpu.matmul %convert_element_type3A_12, %convert_element_type3A_27, %dot_general3A_28 {dimension_numbers = #tpu.dot_dimension_numbers<[1], [0], [0], [1], [0, 0, 1, 1], [], []>, transpose_lhs_hint = false} : vector<512x2048xbf16>, vector<2048x128xbf16>, vector<512x128xf32> -> vector<512x128xf32>
      %swap3A_30 = arith.constant 0 : index
      %swap3A_31 = arith.constant 0 : index
      %swap3A_32 = arith.constant 0 : index
      %swap3A_33 = vector.load %arg12[%swap3A_30, %swap3A_31, %swap3A_32] : memref<1x512x128xf32, #tpu.memory_space<vmem>>, vector<1x512x128xf32>
      %swap3A_34 = vector.shape_cast %swap3A_33 : vector<1x512x128xf32> to vector<512x128xf32>
      %swap3A_35 = vector.shape_cast %dot_general3A_21 : vector<512x128xf32> to vector<1x512x128xf32>
      tpu.vector_store %arg12[%swap3A_30, %swap3A_31, %swap3A_32], %swap3A_35 {strides = array<i32>} : memref<1x512x128xf32, #tpu.memory_space<vmem>>, vector<1x512x128xf32>,
      %max3A = arith.constant 0.000000e+00 : f32
      %max3A_36 = vector.broadcast %max3A : f32 to vector<512x128xf32>
      %max3A_37 = arith.maximumf %dot_general3A_21, %max3A_36 : vector<512x128xf32>
      %max3A_38 = arith.constant 0.000000e+00 : f32
      %max3A_39 = vector.broadcast %max3A_38 : f32 to vector<512x128xf32>
      %max3A_40 = arith.maximumf %dot_general3A_29, %max3A_39 : vector<512x128xf32>
      %convert_element_type3A_41 = arith.truncf %dot_general3A_21 : vector<512x128xf32> to vector<512x128xbf16>
      %swap3A_42 = arith.index_cast %mul3A_0 : i32 to index
      %swap3A_43 = arith.constant 0 : index
      %swap3A_44 = vector.load %arg17[%swap3A_42, %swap3A_43] : memref<2048x128xbf16, #tpu.memory_space<vmem>>, vector<512x128xbf16>
      tpu.vector_store %arg17[%swap3A_42, %swap3A_43], %convert_element_type3A_41 {strides = array<i32>} : memref<2048x128xbf16, #tpu.memory_space<vmem>>, vector<512x128xbf16>,
      %convert_element_type3A_45 = arith.truncf %max3A_37 : vector<512x128xf32> to vector<512x128xbf16>
      %swap3A_46 = arith.index_cast %mul3A_0 : i32 to index
      %swap3A_47 = arith.constant 0 : index
      %swap3A_48 = vector.load %arg18[%swap3A_46, %swap3A_47] : memref<2048x128xbf16, #tpu.memory_space<vmem>>, vector<512x128xbf16>
      tpu.vector_store %arg18[%swap3A_46, %swap3A_47], %convert_element_type3A_45 {strides = array<i32>} : memref<2048x128xbf16, #tpu.memory_space<vmem>>, vector<512x128xbf16>,
      %convert_element_type3A_49 = arith.truncf %max3A_40 : vector<512x128xf32> to vector<512x128xbf16>
      %swap3A_50 = arith.index_cast %mul3A_0 : i32 to index
      %swap3A_51 = arith.constant 0 : index
      %swap3A_52 = vector.load %arg19[%swap3A_50, %swap3A_51] : memref<2048x128xbf16, #tpu.memory_space<vmem>>, vector<512x128xbf16>
      tpu.vector_store %arg19[%swap3A_50, %swap3A_51], %convert_element_type3A_49 {strides = array<i32>} : memref<2048x128xbf16, #tpu.memory_space<vmem>>, vector<512x128xbf16>,
      %mul3A_53 = arith.mulf %dot_general3A_21, %dot_general3A_21 : vector<512x128xf32>
      %reduce_sum3A = arith.constant dense<0.000000e+00> : vector<512xf32>
      %reduce_sum3A_54 = vector.multi_reduction <add>, %mul3A_53, %reduce_sum3A [1] : vector<512x128xf32> to vector<512xf32>
      %swap3A_55 = arith.constant 0 : index
      %swap3A_56 = arith.constant 0 : index
      %swap3A_57 = arith.constant 0 : index
      %swap3A_58 = vector.load %arg13[%swap3A_55, %swap3A_56, %swap3A_57] : memref<1x1x512xf32, #tpu.memory_space<vmem>>, vector<1x1x512xf32>
      %swap3A_59 = vector.shape_cast %swap3A_58 : vector<1x1x512xf32> to vector<512xf32>
      %swap3A_60 = vector.shape_cast %reduce_sum3A_54 : vector<512xf32> to vector<1x1x512xf32>
      tpu.vector_store %arg13[%swap3A_55, %swap3A_56, %swap3A_57], %swap3A_60 {strides = array<i32>} : memref<1x1x512xf32, #tpu.memory_space<vmem>>, vector<1x1x512xf32>,
    } else {
    }
    %eq3A_3 = arith.constant 1 : i32
    %eq3A_4 = arith.cmpi eq, %arg1, %eq3A_3 : i32
    %convert_element_type3A_5 = arith.extui %eq3A_4 : i1 to i32
    %cond3A_6 = arith.constant 0 : i32
    %cond3A_7 = arith.cmpi ne, %convert_element_type3A_5, %cond3A_6 : i32
    scf.if %cond3A_7 {
      %eq3A_8 = arith.constant 0 : i32
      %eq3A_9 = arith.cmpi eq, %arg0, %eq3A_8 : i32
      %eq3A_10 = arith.constant 0 : i32
      %eq3A_11 = arith.cmpi eq, %arg2, %eq3A_10 : i32
      %and3A = arith.andi %eq3A_9, %eq3A_11 : i1
      %convert_element_type3A_12 = arith.extui %and3A : i1 to i32
      %cond3A_13 = arith.constant 0 : i32
      %cond3A_14 = arith.cmpi ne, %convert_element_type3A_12, %cond3A_13 : i32
      scf.if %cond3A_14 {
        %swap3A_217 = arith.constant 0.000000e+00 : f32
        %swap3A_218 = arith.constant 0 : index
        %swap3A_219 = arith.constant 0 : index
        %swap3A_220 = memref.load %arg14[%swap3A_218, %swap3A_219] : memref<1x1xf32, #tpu.memory_space<smem>>
        memref.store %swap3A_217, %arg14[%swap3A_218, %swap3A_219] : memref<1x1xf32, #tpu.memory_space<smem>>
        %swap3A_221 = arith.constant 0.000000e+00 : f32
        %swap3A_222 = arith.constant 0 : index
        %swap3A_223 = arith.constant 0 : index
        %swap3A_224 = memref.load %arg15[%swap3A_222, %swap3A_223] : memref<1x1xf32, #tpu.memory_space<smem>>
        memref.store %swap3A_221, %arg15[%swap3A_222, %swap3A_223] : memref<1x1xf32, #tpu.memory_space<smem>>
      } else {
      }
      %get3A = arith.constant 0 : index
      %get3A_15 = arith.constant 0 : index
      %get3A_16 = arith.constant 0 : index
      %get3A_17 = vector.load %arg4[%get3A, %get3A_15, %get3A_16] : memref<1x512x2048xf32, #tpu.memory_space<vmem>>, vector<1x512x2048xf32>
      %get3A_18 = vector.shape_cast %get3A_17 : vector<1x512x2048xf32> to vector<512x2048xf32>
      %convert_element_type3A_19 = arith.truncf %get3A_18 : vector<512x2048xf32> to vector<512x2048xbf16>
      %get3A_20 = arith.index_cast %mul3A_0 : i32 to index
      %get3A_21 = arith.constant 0 : index
      %get3A_22 = vector.load %arg16[%get3A_20, %get3A_21] : memref<2048x2048xbf16, #tpu.memory_space<vmem>>, vector<512x2048xbf16>
      %get3A_23 = arith.constant 0 : index
      %get3A_24 = arith.constant 0 : index
      %get3A_25 = vector.load %arg17[%get3A_23, %get3A_24] : memref<2048x128xbf16, #tpu.memory_space<vmem>>, vector<2048x128xbf16>
      %dot_general3A = arith.constant dense<0.000000e+00> : vector<512x128xf32>
      %dot_general3A_26 = tpu.matmul %get3A_22, %get3A_25, %dot_general3A {dimension_numbers = #tpu.dot_dimension_numbers<[1], [0], [0], [1], [0, 0, 1, 1], [], []>, transpose_lhs_hint = false} : vector<512x2048xbf16>, vector<2048x128xbf16>, vector<512x128xf32> -> vector<512x128xf32>
      %get3A_27 = arith.constant 0 : index
      %get3A_28 = arith.constant 0 : index
      %get3A_29 = vector.load %arg18[%get3A_27, %get3A_28] : memref<2048x128xbf16, #tpu.memory_space<vmem>>, vector<2048x128xbf16>
      %dot_general3A_30 = arith.constant dense<0.000000e+00> : vector<512x128xf32>
      %dot_general3A_31 = tpu.matmul %convert_element_type3A_19, %get3A_29, %dot_general3A_30 {dimension_numbers = #tpu.dot_dimension_numbers<[1], [0], [0], [1], [0, 0, 1, 1], [], []>, transpose_lhs_hint = false} : vector<512x2048xbf16>, vector<2048x128xbf16>, vector<512x128xf32> -> vector<512x128xf32>
      %get3A_32 = arith.constant 0 : index
      %get3A_33 = arith.constant 0 : index
      %get3A_34 = vector.load %arg19[%get3A_32, %get3A_33] : memref<2048x128xbf16, #tpu.memory_space<vmem>>, vector<2048x128xbf16>
      %dot_general3A_35 = arith.constant dense<0.000000e+00> : vector<512x128xf32>
      %dot_general3A_36 = tpu.matmul %convert_element_type3A_19, %get3A_34, %dot_general3A_35 {dimension_numbers = #tpu.dot_dimension_numbers<[1], [0], [0], [1], [0, 0, 1, 1], [], []>, transpose_lhs_hint = false} : vector<512x2048xbf16>, vector<2048x128xbf16>, vector<512x128xf32> -> vector<512x128xf32>
      %reduce_sum3A = arith.constant dense<0.000000e+00> : vector<512xf32>
      %reduce_sum3A_37 = vector.multi_reduction <add>, %get3A_18, %reduce_sum3A [1] : vector<512x2048xf32> to vector<512xf32>
      %broadcast_in_dim3A = vector.shape_cast %reduce_sum3A_37 : vector<512xf32> to vector<512x1xf32>
      %div3A = vector.broadcast %broadcast_in_dim3A : vector<512x1xf32> to vector<512x128xf32>
      %div3A_38 = arith.divf %dot_general3A_31, %div3A : vector<512x128xf32>
      %mul3A_39 = arith.mulf %div3A_38, %div3A_38 : vector<512x128xf32>
      %reduce_sum3A_40 = arith.constant dense<0.000000e+00> : vector<512xf32>
      %reduce_sum3A_41 = vector.multi_reduction <add>, %mul3A_39, %reduce_sum3A_40 [1] : vector<512x128xf32> to vector<512xf32>
      %broadcast_in_dim3A_42 = vector.shape_cast %reduce_sum3A_41 : vector<512xf32> to vector<512x1xf32>
      %sqrt3A = math.sqrt %broadcast_in_dim3A_42 : vector<512x1xf32>
      %max3A = arith.constant 9.99999996E-13 : f32
      %max3A_43 = vector.broadcast %max3A : f32 to vector<512x1xf32>
      %max3A_44 = arith.maximumf %sqrt3A, %max3A_43 : vector<512x1xf32>
      %div3A_45 = vector.broadcast %max3A_44 : vector<512x1xf32> to vector<512x128xf32>
      %div3A_46 = arith.divf %div3A_38, %div3A_45 : vector<512x128xf32>
      %logistic3A = arith.negf %div3A_46 : vector<512x128xf32>
      %logistic3A_47 = math.exp %logistic3A : vector<512x128xf32>
      %logistic3A_48 = arith.constant 1.000000e+00 : f32
      %logistic3A_49 = vector.broadcast %logistic3A_48 : f32 to vector<512x128xf32>
      %logistic3A_50 = arith.addf %logistic3A_49, %logistic3A_47 : vector<512x128xf32>
      %logistic3A_51 = arith.divf %logistic3A_49, %logistic3A_50 : vector<512x128xf32>
      %broadcast_in_dim3A_52 = vector.shape_cast %reduce_sum3A_37 : vector<512xf32> to vector<512x1xf32>
      %div3A_53 = vector.broadcast %broadcast_in_dim3A_52 : vector<512x1xf32> to vector<512x128xf32>
      %div3A_54 = arith.divf %dot_general3A_36, %div3A_53 : vector<512x128xf32>
      %mul3A_55 = arith.mulf %div3A_54, %div3A_54 : vector<512x128xf32>
      %reduce_sum3A_56 = arith.constant dense<0.000000e+00> : vector<512xf32>
      %reduce_sum3A_57 = vector.multi_reduction <add>, %mul3A_55, %reduce_sum3A_56 [1] : vector<512x128xf32> to vector<512xf32>
      %broadcast_in_dim3A_58 = vector.shape_cast %reduce_sum3A_57 : vector<512xf32> to vector<512x1xf32>
      %sqrt3A_59 = math.sqrt %broadcast_in_dim3A_58 : vector<512x1xf32>
      %max3A_60 = arith.constant 9.99999996E-13 : f32
      %max3A_61 = vector.broadcast %max3A_60 : f32 to vector<512x1xf32>
      %max3A_62 = arith.maximumf %sqrt3A_59, %max3A_61 : vector<512x1xf32>
      %div3A_63 = vector.broadcast %max3A_62 : vector<512x1xf32> to vector<512x128xf32>
      %div3A_64 = arith.divf %div3A_54, %div3A_63 : vector<512x128xf32>
      %logistic3A_65 = arith.negf %div3A_64 : vector<512x128xf32>
      %logistic3A_66 = math.exp %logistic3A_65 : vector<512x128xf32>
      %logistic3A_67 = arith.constant 1.000000e+00 : f32
      %logistic3A_68 = vector.broadcast %logistic3A_67 : f32 to vector<512x128xf32>
      %logistic3A_69 = arith.addf %logistic3A_68, %logistic3A_66 : vector<512x128xf32>
      %logistic3A_70 = arith.divf %logistic3A_68, %logistic3A_69 : vector<512x128xf32>
      %get3A_71 = arith.constant 0 : index
      %get3A_72 = arith.constant 0 : index
      %get3A_73 = vector.load %arg10[%get3A_71, %get3A_72] : memref<128x128xf32, #tpu.memory_space<vmem>>, vector<128x128xf32>
      %convert_element_type3A_74 = arith.truncf %get3A_73 : vector<128x128xf32> to vector<128x128xbf16>
      %get3A_75 = arith.index_cast %mul3A_0 : i32 to index
      %get3A_76 = arith.constant 0 : index
      %get3A_77 = vector.load %arg18[%get3A_75, %get3A_76] : memref<2048x128xbf16, #tpu.memory_space<vmem>>, vector<512x128xbf16>
      %dot_general3A_78 = arith.constant dense<0.000000e+00> : vector<512x128xf32>
      %dot_general3A_79 = tpu.matmul %get3A_77, %convert_element_type3A_74, %dot_general3A_78 {dimension_numbers = #tpu.dot_dimension_numbers<[1], [0], [0], [1], [0, 0, 1, 1], [], []>, transpose_lhs_hint = false} : vector<512x128xbf16>, vector<128x128xbf16>, vector<512x128xf32> -> vector<512x128xf32>
      %get3A_80 = arith.index_cast %mul3A_0 : i32 to index
      %get3A_81 = arith.constant 0 : index
      %get3A_82 = vector.load %arg19[%get3A_80, %get3A_81] : memref<2048x128xbf16, #tpu.memory_space<vmem>>, vector<512x128xbf16>
      %dot_general3A_83 = arith.constant dense<0.000000e+00> : vector<512x128xf32>
      %dot_general3A_84 = tpu.matmul %get3A_82, %convert_element_type3A_74, %dot_general3A_83 {dimension_numbers = #tpu.dot_dimension_numbers<[1], [0], [0], [1], [0, 0, 1, 1], [], []>, transpose_lhs_hint = false} : vector<512x128xbf16>, vector<128x128xbf16>, vector<512x128xf32> -> vector<512x128xf32>
      %get3A_85 = arith.constant 0 : index
      %get3A_86 = arith.constant 0 : index
      %get3A_87 = memref.load %arg11[%get3A_85, %get3A_86] : memref<1x1xf32, #tpu.memory_space<smem>>
      %mul3A_88 = arith.mulf %dot_general3A_79, %logistic3A_51 : vector<512x128xf32>
      %reduce_sum3A_89 = arith.constant dense<0.000000e+00> : vector<512xf32>
      %reduce_sum3A_90 = vector.multi_reduction <add>, %mul3A_88, %reduce_sum3A_89 [1] : vector<512x128xf32> to vector<512xf32>
      %add3A = vector.broadcast %get3A_87 : f32 to vector<512xf32>
      %add3A_91 = arith.addf %reduce_sum3A_90, %add3A : vector<512xf32>
      %mul3A_92 = arith.mulf %dot_general3A_84, %logistic3A_51 : vector<512x128xf32>
      %reduce_sum3A_93 = arith.constant dense<0.000000e+00> : vector<512xf32>
      %reduce_sum3A_94 = vector.multi_reduction <add>, %mul3A_92, %reduce_sum3A_93 [1] : vector<512x128xf32> to vector<512xf32>
      %add3A_95 = vector.broadcast %get3A_87 : f32 to vector<512xf32>
      %add3A_96 = arith.addf %reduce_sum3A_94, %add3A_95 : vector<512xf32>
      %mul3A_97 = arith.mulf %dot_general3A_84, %logistic3A_70 : vector<512x128xf32>
      %reduce_sum3A_98 = arith.constant dense<0.000000e+00> : vector<512xf32>
      %reduce_sum3A_99 = vector.multi_reduction <add>, %mul3A_97, %reduce_sum3A_98 [1] : vector<512x128xf32> to vector<512xf32>
      %add3A_100 = vector.broadcast %get3A_87 : f32 to vector<512xf32>
      %add3A_101 = arith.addf %reduce_sum3A_99, %add3A_100 : vector<512xf32>
      %mul3A_102 = arith.mulf %dot_general3A_79, %logistic3A_70 : vector<512x128xf32>
      %reduce_sum3A_103 = arith.constant dense<0.000000e+00> : vector<512xf32>
      %reduce_sum3A_104 = vector.multi_reduction <add>, %mul3A_102, %reduce_sum3A_103 [1] : vector<512x128xf32> to vector<512xf32>
      %add3A_105 = vector.broadcast %get3A_87 : f32 to vector<512xf32>
      %add3A_106 = arith.addf %reduce_sum3A_104, %add3A_105 : vector<512xf32>
      %get3A_107 = arith.constant 0 : index
      %get3A_108 = arith.constant 0 : index
      %get3A_109 = arith.constant 0 : index
      %get3A_110 = vector.load %arg6[%get3A_107, %get3A_108, %get3A_109] : memref<1x512x2xf32, #tpu.memory_space<vmem>>, vector<1x512x1xf32>
      %get3A_111 = vector.shape_cast %get3A_110 : vector<1x512x1xf32> to vector<512xf32>
      %get3A_112 = arith.constant 0 : index
      %get3A_113 = arith.constant 0 : index
      %get3A_114 = arith.constant 1 : index
      %get3A_115 = vector.load %arg6[%get3A_112, %get3A_113, %get3A_114] : memref<1x512x2xf32, #tpu.memory_space<vmem>>, vector<1x512x1xf32>
      %get3A_116 = vector.shape_cast %get3A_115 : vector<1x512x1xf32> to vector<512xf32>
      %get3A_117 = arith.constant 0 : index
      %get3A_118 = arith.constant 0 : index
      %get3A_119 = memref.load %arg14[%get3A_117, %get3A_118] : memref<1x1xf32, #tpu.memory_space<smem>>
      %max3A_120 = arith.constant 0.000000e+00 : f32
      %max3A_121 = vector.broadcast %max3A_120 : f32 to vector<512xf32>
      %max3A_122 = arith.maximumf %add3A_91, %max3A_121 : vector<512xf32>
      %mul3A_123 = arith.mulf %add3A_91, %get3A_111 : vector<512xf32>
      %sub3A = arith.subf %max3A_122, %mul3A_123 : vector<512xf32>
      %abs3A = math.absf %add3A_91 : vector<512xf32>
      %neg3A = arith.constant 0.000000e+00 : f32
      %neg3A_124 = vector.broadcast %neg3A : f32 to vector<512xf32>
      %neg3A_125 = arith.subf %neg3A_124, %abs3A : vector<512xf32>
      %exp3A = math.exp %neg3A_125 : vector<512xf32>
      %log1p3A = math.log1p %exp3A : vector<512xf32>
      %add3A_126 = arith.addf %sub3A, %log1p3A : vector<512xf32>
      %reduce_sum3A_127 = vector.shape_cast %add3A_126 : vector<512xf32> to vector<1x512xf32>
      %reduce_sum3A_128 = arith.constant dense<0.000000e+00> : vector<1xf32>
      %reduce_sum3A_129 = vector.multi_reduction <add>, %reduce_sum3A_127, %reduce_sum3A_128 [1] : vector<1x512xf32> to vector<1xf32>
      %reduce_sum3A_130 = vector.shape_cast %reduce_sum3A_129 : vector<1xf32> to vector<1x1xf32>
      %reduce_sum3A_131 = vector.extract %reduce_sum3A_130[0, 0] : f32 from vector<1x1xf32>
      %max3A_132 = arith.constant 0.000000e+00 : f32
      %max3A_133 = vector.broadcast %max3A_132 : f32 to vector<512xf32>
      %max3A_134 = arith.maximumf %add3A_96, %max3A_133 : vector<512xf32>
      %mul3A_135 = arith.mulf %add3A_96, %get3A_116 : vector<512xf32>
      %sub3A_136 = arith.subf %max3A_134, %mul3A_135 : vector<512xf32>
      %abs3A_137 = math.absf %add3A_96 : vector<512xf32>
      %neg3A_138 = arith.constant 0.000000e+00 : f32
      %neg3A_139 = vector.broadcast %neg3A_138 : f32 to vector<512xf32>
      %neg3A_140 = arith.subf %neg3A_139, %abs3A_137 : vector<512xf32>
      %exp3A_141 = math.exp %neg3A_140 : vector<512xf32>
      %log1p3A_142 = math.log1p %exp3A_141 : vector<512xf32>
      %add3A_143 = arith.addf %sub3A_136, %log1p3A_142 : vector<512xf32>
      %reduce_sum3A_144 = vector.shape_cast %add3A_143 : vector<512xf32> to vector<1x512xf32>
      %reduce_sum3A_145 = arith.constant dense<0.000000e+00> : vector<1xf32>
      %reduce_sum3A_146 = vector.multi_reduction <add>, %reduce_sum3A_144, %reduce_sum3A_145 [1] : vector<1x512xf32> to vector<1xf32>
      %reduce_sum3A_147 = vector.shape_cast %reduce_sum3A_146 : vector<1xf32> to vector<1x1xf32>
      %reduce_sum3A_148 = vector.extract %reduce_sum3A_147[0, 0] : f32 from vector<1x1xf32>
      %add3A_149 = arith.addf %reduce_sum3A_131, %reduce_sum3A_148 : f32
      %max3A_150 = arith.constant 0.000000e+00 : f32
      %max3A_151 = vector.broadcast %max3A_150 : f32 to vector<512xf32>
      %max3A_152 = arith.maximumf %add3A_101, %max3A_151 : vector<512xf32>
      %mul3A_153 = arith.mulf %add3A_101, %get3A_111 : vector<512xf32>
      %sub3A_154 = arith.subf %max3A_152, %mul3A_153 : vector<512xf32>
      %abs3A_155 = math.absf %add3A_101 : vector<512xf32>
      %neg3A_156 = arith.constant 0.000000e+00 : f32
      %neg3A_157 = vector.broadcast %neg3A_156 : f32 to vector<512xf32>
      %neg3A_158 = arith.subf %neg3A_157, %abs3A_155 : vector<512xf32>
      %exp3A_159 = math.exp %neg3A_158 : vector<512xf32>
      %log1p3A_160 = math.log1p %exp3A_159 : vector<512xf32>
      %add3A_161 = arith.addf %sub3A_154, %log1p3A_160 : vector<512xf32>
      %reduce_sum3A_162 = vector.shape_cast %add3A_161 : vector<512xf32> to vector<1x512xf32>
      %reduce_sum3A_163 = arith.constant dense<0.000000e+00> : vector<1xf32>
      %reduce_sum3A_164 = vector.multi_reduction <add>, %reduce_sum3A_162, %reduce_sum3A_163 [1] : vector<1x512xf32> to vector<1xf32>
      %reduce_sum3A_165 = vector.shape_cast %reduce_sum3A_164 : vector<1xf32> to vector<1x1xf32>
      %reduce_sum3A_166 = vector.extract %reduce_sum3A_165[0, 0] : f32 from vector<1x1xf32>
      %add3A_167 = arith.addf %add3A_149, %reduce_sum3A_166 : f32
      %max3A_168 = arith.constant 0.000000e+00 : f32
      %max3A_169 = vector.broadcast %max3A_168 : f32 to vector<512xf32>
      %max3A_170 = arith.maximumf %add3A_106, %max3A_169 : vector<512xf32>
      %mul3A_171 = arith.mulf %add3A_106, %get3A_116 : vector<512xf32>
      %sub3A_172 = arith.subf %max3A_170, %mul3A_171 : vector<512xf32>
      %abs3A_173 = math.absf %add3A_106 : vector<512xf32>
      %neg3A_174 = arith.constant 0.000000e+00 : f32
      %neg3A_175 = vector.broadcast %neg3A_174 : f32 to vector<512xf32>
      %neg3A_176 = arith.subf %neg3A_175, %abs3A_173 : vector<512xf32>
      %exp3A_177 = math.exp %neg3A_176 : vector<512xf32>
      %log1p3A_178 = math.log1p %exp3A_177 : vector<512xf32>
      %add3A_179 = arith.addf %sub3A_172, %log1p3A_178 : vector<512xf32>
      %reduce_sum3A_180 = vector.shape_cast %add3A_179 : vector<512xf32> to vector<1x512xf32>
      %reduce_sum3A_181 = arith.constant dense<0.000000e+00> : vector<1xf32>
      %reduce_sum3A_182 = vector.multi_reduction <add>, %reduce_sum3A_180, %reduce_sum3A_181 [1] : vector<1x512xf32> to vector<1xf32>
      %reduce_sum3A_183 = vector.shape_cast %reduce_sum3A_182 : vector<1xf32> to vector<1x1xf32>
      %reduce_sum3A_184 = vector.extract %reduce_sum3A_183[0, 0] : f32 from vector<1x1xf32>
      %add3A_185 = arith.addf %add3A_167, %reduce_sum3A_184 : f32
      %add3A_186 = arith.addf %get3A_119, %add3A_185 : f32
      %swap3A = arith.constant 0 : index
      %swap3A_187 = arith.constant 0 : index
      %swap3A_188 = memref.load %arg14[%swap3A, %swap3A_187] : memref<1x1xf32, #tpu.memory_space<smem>>
      memref.store %add3A_186, %arg14[%swap3A, %swap3A_187] : memref<1x1xf32, #tpu.memory_space<smem>>
      %convert_element_type3A_189 = arith.truncf %dot_general3A_26 : vector<512x128xf32> to vector<512x128xbf16>
      %get3A_190 = arith.constant 0 : index
      %get3A_191 = arith.constant 0 : index
      %get3A_192 = arith.constant 0 : index
      %get3A_193 = vector.load %arg9[%get3A_190, %get3A_191, %get3A_192] : memref<1x128x512xf32, #tpu.memory_space<vmem>>, vector<1x128x512xf32>
      %get3A_194 = vector.shape_cast %get3A_193 : vector<1x128x512xf32> to vector<128x512xf32>
      %convert_element_type3A_195 = arith.truncf %get3A_194 : vector<128x512xf32> to vector<128x512xbf16>
      %dot_general3A_196 = arith.constant dense<0.000000e+00> : vector<512x512xf32>
      %dot_general3A_197 = tpu.matmul %convert_element_type3A_189, %convert_element_type3A_195, %dot_general3A_196 {dimension_numbers = #tpu.dot_dimension_numbers<[1], [0], [0], [1], [0, 0, 1, 1], [], []>, transpose_lhs_hint = false} : vector<512x128xbf16>, vector<128x512xbf16>, vector<512x512xf32> -> vector<512x512xf32>
      %get3A_198 = arith.constant 0 : index
      %get3A_199 = arith.constant 0 : index
      %get3A_200 = arith.constant 0 : index
      %get3A_201 = vector.load %arg5[%get3A_198, %get3A_199, %get3A_200] : memref<1x512x512xf32, #tpu.memory_space<vmem>>, vector<1x512x512xf32>
      %get3A_202 = vector.shape_cast %get3A_201 : vector<1x512x512xf32> to vector<512x512xf32>
      %sub3A_203 = arith.subf %get3A_202, %dot_general3A_197 : vector<512x512xf32>
      %get3A_204 = arith.constant 0 : index
      %get3A_205 = arith.constant 0 : index
      %get3A_206 = memref.load %arg15[%get3A_204, %get3A_205] : memref<1x1xf32, #tpu.memory_space<smem>>
      %mul3A_207 = arith.mulf %sub3A_203, %sub3A_203 : vector<512x512xf32>
      %reduce_sum3A_208 = vector.shape_cast %mul3A_207 : vector<512x512xf32> to vector<1x512x512xf32>
      %reduce_sum3A_209 = arith.constant dense<0.000000e+00> : vector<1xf32>
      %reduce_sum3A_210 = vector.multi_reduction <add>, %reduce_sum3A_208, %reduce_sum3A_209 [1, 2] : vector<1x512x512xf32> to vector<1xf32>
      %reduce_sum3A_211 = vector.shape_cast %reduce_sum3A_210 : vector<1xf32> to vector<1x1x1xf32>
      %reduce_sum3A_212 = vector.extract %reduce_sum3A_211[0, 0, 0] : f32 from vector<1x1x1xf32>
      %add3A_213 = arith.addf %get3A_206, %reduce_sum3A_212 : f32
      %swap3A_214 = arith.constant 0 : index
      %swap3A_215 = arith.constant 0 : index
      %swap3A_216 = memref.load %arg15[%swap3A_214, %swap3A_215] : memref<1x1xf32, #tpu.memory_space<smem>>
      memref.store %add3A_213, %arg15[%swap3A_214, %swap3A_215] : memref<1x1xf32, #tpu.memory_space<smem>>
    } else {
    }
    return
  }
  func.func @transform_0(%arg0: i32, %arg1: i32, %arg2: i32) -> (i32, i32, i32) {
    %eq3A = arith.constant 0 : i32
    %eq3A_0 = arith.cmpi eq, %arg1, %eq3A : i32
    %jit3A = arith.constant 3 : i32
    %select_n3A = arith.select %eq3A_0, %arg2, %jit3A : i32
    %c0_i32 = arith.constant 0 : i32
    %c0_i32_1 = arith.constant 0 : i32
    return %arg0, %select_n3A, %c0_i32 : i32, i32, i32
  }
  func.func @transform_1(%arg0: i32, %arg1: i32, %arg2: i32) -> (i32, i32, i32) {
    %eq3A = arith.constant 1 : i32
    %eq3A_0 = arith.cmpi eq, %arg1, %eq3A : i32
    %jit3A = arith.constant 0 : i32
    %select_n3A = arith.select %eq3A_0, %arg2, %jit3A : i32
    %c0_i32 = arith.constant 0 : i32
    %c0_i32_1 = arith.constant 0 : i32
    return %arg0, %select_n3A, %c0_i32 : i32, i32, i32
  }
  func.func @transform_2(%arg0: i32, %arg1: i32, %arg2: i32) -> (i32, i32, i32) {
    %eq3A = arith.constant 1 : i32
    %eq3A_0 = arith.cmpi eq, %arg1, %eq3A : i32
    %jit3A = arith.constant 0 : i32
    %select_n3A = arith.select %eq3A_0, %arg2, %jit3A : i32
    %c0_i32 = arith.constant 0 : i32
    %c0_i32_1 = arith.constant 0 : i32
    return %arg0, %select_n3A, %c0_i32 : i32, i32, i32
  }
  func.func @transform_3(%arg0: i32, %arg1: i32, %arg2: i32) -> (i32, i32, i32) {
    %eq3A = arith.constant 1 : i32
    %eq3A_0 = arith.cmpi eq, %arg1, %eq3A : i32
    %jit3A = arith.constant 0 : i32
    %select_n3A = arith.select %eq3A_0, %arg2, %jit3A : i32
    %c0_i32 = arith.constant 0 : i32
    %c0_i32_1 = arith.constant 0 : i32
    return %arg0, %select_n3A, %c0_i32 : i32, i32, i32
  }
  func.func @transform_4(%arg0: i32, %arg1: i32, %arg2: i32) -> (i32, i32, i32) {
    %c0_i32 = arith.constant 0 : i32
    %c0_i32_0 = arith.constant 0 : i32
    %c0_i32_1 = arith.constant 0 : i32
    return %arg0, %c0_i32, %c0_i32_0 : i32, i32, i32
  }
  func.func @transform_5(%arg0: i32, %arg1: i32, %arg2: i32) -> (i32, i32, i32) {
    %c0_i32 = arith.constant 0 : i32
    %c0_i32_0 = arith.constant 0 : i32
    %c0_i32_1 = arith.constant 0 : i32
    return %arg0, %c0_i32, %c0_i32_0 : i32, i32, i32
  }
  func.func @transform_6(%arg0: i32, %arg1: i32, %arg2: i32) -> (i32, i32, i32) {
    %c0_i32 = arith.constant 0 : i32
    %c0_i32_0 = arith.constant 0 : i32
    %c0_i32_1 = arith.constant 0 : i32
    return %arg0, %c0_i32, %c0_i32_0 : i32, i32, i32
  }
  func.func @transform_7(%arg0: i32, %arg1: i32, %arg2: i32) -> (i32, i32) {
    %c0_i32 = arith.constant 0 : i32
    %c0_i32_0 = arith.constant 0 : i32
    %c0_i32_1 = arith.constant 0 : i32
    return %c0_i32, %c0_i32_0 : i32, i32
  }
  func.func @transform_8(%arg0: i32, %arg1: i32, %arg2: i32) -> (i32, i32) {
    %c0_i32 = arith.constant 0 : i32
    %c0_i32_0 = arith.constant 0 : i32
    %c0_i32_1 = arith.constant 0 : i32
    return %c0_i32, %c0_i32_0 : i32, i32
  }
  func.func @transform_9(%arg0: i32, %arg1: i32, %arg2: i32) -> (i32, i32, i32) {
    %eq3A = arith.constant 0 : i32
    %eq3A_0 = arith.cmpi eq, %arg1, %eq3A : i32
    %jit3A = arith.constant 3 : i32
    %select_n3A = arith.select %eq3A_0, %arg2, %jit3A : i32
    %c0_i32 = arith.constant 0 : i32
    %c0_i32_1 = arith.constant 0 : i32
    return %arg0, %select_n3A, %c0_i32 : i32, i32, i32
  }
  func.func @transform_10(%arg0: i32, %arg1: i32, %arg2: i32) -> (i32, i32, i32) {
    %eq3A = arith.constant 0 : i32
    %eq3A_0 = arith.cmpi eq, %arg1, %eq3A : i32
    %jit3A = arith.constant 3 : i32
    %select_n3A = arith.select %eq3A_0, %arg2, %jit3A : i32
    %c0_i32 = arith.constant 0 : i32
    %c0_i32_1 = arith.constant 0 : i32
    return %arg0, %c0_i32, %select_n3A : i32, i32, i32
  }
  func.func @transform_11(%arg0: i32, %arg1: i32, %arg2: i32) -> (i32, i32) {
    %c0_i32 = arith.constant 0 : i32
    %c0_i32_0 = arith.constant 0 : i32
    %c0_i32_1 = arith.constant 0 : i32
    return %c0_i32, %c0_i32_0 : i32, i32
  }
  func.func @transform_12(%arg0: i32, %arg1: i32, %arg2: i32) -> (i32, i32) {
    %c0_i32 = arith.constant 0 : i32
    %c0_i32_0 = arith.constant 0 : i32
    %c0_i32_1 = arith.constant 0 : i32
    return %c0_i32, %c0_i32_0 : i32, i32
  }
}

module attributes {stable_mosaic.version = 14 : i64} {
  func.func @_sink_body(%arg0: i32, %arg1: i32, %arg2: memref<128x128xf32, #tpu.memory_space<vmem>>, %arg3: memref<1x512x128xf32, #tpu.memory_space<vmem>>, %arg4: memref<1x2048x128xf32, #tpu.memory_space<vmem>>, %arg5: memref<1x1x512xf32, #tpu.memory_space<vmem>>, %arg6: memref<1x1x2048xf32, #tpu.memory_space<vmem>>, %arg7: memref<512x2048xbf16, #tpu.memory_space<vmem>>, %arg8: memref<512x2048xbf16, #tpu.memory_space<vmem>>, %arg9: memref<1x1xf32, #tpu.memory_space<smem>>, %arg10: memref<1x1xf32, #tpu.memory_space<smem>>, %arg11: memref<1x1xf32, #tpu.memory_space<smem>>, %arg12: memref<1x1xf32, #tpu.memory_space<smem>>, %arg13: memref<2048x2048xf32, #tpu.memory_space<vmem>>, %arg14: memref<8x2048xf32, #tpu.memory_space<vmem>>, %arg15: memref<2048x128xf32, #tpu.memory_space<vmem>>) attributes {dimension_semantics = [#tpu.dimension_semantics<arbitrary>, #tpu.dimension_semantics<arbitrary>], iteration_bounds = array<i64: 4, 4>, scalar_prefetch = 0 : i64, scratch_operands = 3 : i64, tpu.core_type = #tpu.core_type<tc>, window_params = [{pipeline_mode = #tpu.pipeline_mode<synchronous>, transform_indices = @transform_0, window_bounds = array<i64: 128, 128>}, {transform_indices = @transform_1, window_bounds = array<i64: 1, 512, 128>}, {transform_indices = @transform_2, window_bounds = array<i64: 1, 2048, 128>}, {transform_indices = @transform_3, window_bounds = array<i64: 1, 1, 512>}, {transform_indices = @transform_4, window_bounds = array<i64: 1, 1, 2048>}, {transform_indices = @transform_5, window_bounds = array<i64: 512, 2048>}, {transform_indices = @transform_6, window_bounds = array<i64: 512, 2048>}, {transform_indices = @transform_7, window_bounds = array<i64: 1, 1>}, {transform_indices = @transform_8, window_bounds = array<i64: 1, 1>}, {transform_indices = @transform_9, window_bounds = array<i64: 1, 1>}, {transform_indices = @transform_10, window_bounds = array<i64: 1, 1>}]} {
    %mul3A = arith.constant 512 : i32
    %mul3A_0 = arith.muli %arg1, %mul3A : i32
    %eq3A = arith.constant 0 : i32
    %eq3A_1 = arith.cmpi eq, %arg0, %eq3A : i32
    %convert_element_type3A = arith.extui %eq3A_1 : i1 to i32
    %cond3A = arith.constant 0 : i32
    %cond3A_2 = arith.cmpi ne, %convert_element_type3A, %cond3A : i32
    scf.if %cond3A_2 {
      %eq3A_18 = arith.constant 0 : i32
      %eq3A_19 = arith.cmpi eq, %arg1, %eq3A_18 : i32
      %convert_element_type3A_20 = arith.extui %eq3A_19 : i1 to i32
      %cond3A_21 = arith.constant 0 : i32
      %cond3A_22 = arith.cmpi ne, %convert_element_type3A_20, %cond3A_21 : i32
      scf.if %cond3A_22 {
        %broadcast_in_dim3A_69 = arith.constant 0.000000e+00 : f32
        %broadcast_in_dim3A_70 = vector.broadcast %broadcast_in_dim3A_69 : f32 to vector<1x2048xf32>
        %swap3A_71 = arith.constant 0 : index
        %swap3A_72 = arith.constant 0 : index
        %swap3A_73 = vector.load %arg14[%swap3A_71, %swap3A_72] : memref<8x2048xf32, #tpu.memory_space<vmem>>, vector<1x2048xf32>
        tpu.vector_store %arg14[%swap3A_71, %swap3A_72], %broadcast_in_dim3A_70 {strides = array<i32>} : memref<8x2048xf32, #tpu.memory_space<vmem>>, vector<1x2048xf32>,
        %get3A_74 = arith.constant 0 : index
        %get3A_75 = arith.constant 0 : index
        %get3A_76 = vector.load %arg2[%get3A_74, %get3A_75] : memref<128x128xf32, #tpu.memory_space<vmem>>, vector<128x128xf32>
        %get3A_77 = arith.constant 0 : index
        %get3A_78 = arith.constant 0 : index
        %get3A_79 = vector.load %arg2[%get3A_77, %get3A_78] : memref<128x128xf32, #tpu.memory_space<vmem>>, vector<128x128xf32>
        %dot_general3A_80 = arith.constant dense<0.000000e+00> : vector<128x128xf32>
        %dot_general3A_81 = tpu.matmul %get3A_76, %get3A_79, %dot_general3A_80 {dimension_numbers = #tpu.dot_dimension_numbers<[1], [1], [0], [0], [0, 0, 1, 0], [], []>, precision = #tpu.contract_precision<fp32>, transpose_lhs_hint = false} : vector<128x128xf32>, vector<128x128xf32>, vector<128x128xf32> -> vector<128x128xf32>
        %get3A_82 = arith.constant 0 : index
        %get3A_83 = arith.constant 0 : index
        %get3A_84 = arith.constant 0 : index
        %get3A_85 = vector.load %arg4[%get3A_82, %get3A_83, %get3A_84] : memref<1x2048x128xf32, #tpu.memory_space<vmem>>, vector<1x2048x128xf32>
        %get3A_86 = vector.shape_cast %get3A_85 : vector<1x2048x128xf32> to vector<2048x128xf32>
        %dot_general3A_87 = arith.constant dense<0.000000e+00> : vector<2048x128xf32>
        %dot_general3A_88 = tpu.matmul %get3A_86, %dot_general3A_81, %dot_general3A_87 {dimension_numbers = #tpu.dot_dimension_numbers<[1], [0], [0], [1], [0, 0, 1, 1], [], []>, precision = #tpu.contract_precision<fp32>, transpose_lhs_hint = false} : vector<2048x128xf32>, vector<128x128xf32>, vector<2048x128xf32> -> vector<2048x128xf32>
        %swap3A_89 = arith.constant 0 : index
        %swap3A_90 = arith.constant 0 : index
        %swap3A_91 = vector.load %arg15[%swap3A_89, %swap3A_90] : memref<2048x128xf32, #tpu.memory_space<vmem>>, vector<2048x128xf32>
        tpu.vector_store %arg15[%swap3A_89, %swap3A_90], %dot_general3A_88 {strides = array<i32>} : memref<2048x128xf32, #tpu.memory_space<vmem>>, vector<2048x128xf32>,
      } else {
      }
      %get3A = arith.constant 0 : index
      %get3A_23 = arith.constant 0 : index
      %get3A_24 = arith.constant 0 : index
      %get3A_25 = vector.load %arg3[%get3A, %get3A_23, %get3A_24] : memref<1x512x128xf32, #tpu.memory_space<vmem>>, vector<1x512x128xf32>
      %get3A_26 = vector.shape_cast %get3A_25 : vector<1x512x128xf32> to vector<512x128xf32>
      %get3A_27 = arith.constant 0 : index
      %get3A_28 = arith.constant 0 : index
      %get3A_29 = vector.load %arg15[%get3A_27, %get3A_28] : memref<2048x128xf32, #tpu.memory_space<vmem>>, vector<2048x128xf32>
      %dot_general3A = arith.constant dense<0.000000e+00> : vector<512x2048xf32>
      %dot_general3A_30 = tpu.matmul %get3A_26, %get3A_29, %dot_general3A {dimension_numbers = #tpu.dot_dimension_numbers<[1], [1], [0], [0], [0, 0, 1, 0], [], []>, precision = #tpu.contract_precision<fp32>, transpose_lhs_hint = false} : vector<512x128xf32>, vector<2048x128xf32>, vector<512x2048xf32> -> vector<512x2048xf32>
      %sqrt3A = arith.constant 1.280000e+02 : f32
      %sqrt3A_31 = math.sqrt %sqrt3A : f32
      %div3A = arith.constant 1.000000e+00 : f32
      %div3A_32 = arith.divf %div3A, %sqrt3A_31 : f32
      %mul3A_33 = vector.broadcast %div3A_32 : f32 to vector<512x2048xf32>
      %mul3A_34 = arith.mulf %dot_general3A_30, %mul3A_33 : vector<512x2048xf32>
      %reduce_max3A = arith.constant dense<0xFF800000> : vector<512xf32>
      %reduce_max3A_35 = vector.multi_reduction <maximumf>, %mul3A_34, %reduce_max3A [1] : vector<512x2048xf32> to vector<512xf32>
      %broadcast_in_dim3A = vector.shape_cast %reduce_max3A_35 : vector<512xf32> to vector<512x1xf32>
      %sub3A = vector.broadcast %broadcast_in_dim3A : vector<512x1xf32> to vector<512x2048xf32>
      %sub3A_36 = arith.subf %mul3A_34, %sub3A : vector<512x2048xf32>
      %exp3A = math.exp %sub3A_36 : vector<512x2048xf32>
      %reduce_sum3A = arith.constant dense<0.000000e+00> : vector<512xf32>
      %reduce_sum3A_37 = vector.multi_reduction <add>, %exp3A, %reduce_sum3A [1] : vector<512x2048xf32> to vector<512xf32>
      %broadcast_in_dim3A_38 = vector.shape_cast %reduce_sum3A_37 : vector<512xf32> to vector<512x1xf32>
      %mul3A_39 = arith.constant 2.048000e+03 : f32
      %mul3A_40 = vector.broadcast %mul3A_39 : f32 to vector<512x1xf32>
      %mul3A_41 = arith.mulf %broadcast_in_dim3A_38, %mul3A_40 : vector<512x1xf32>
      %div3A_42 = arith.constant 1.000000e+00 : f32
      %div3A_43 = vector.broadcast %div3A_42 : f32 to vector<512x1xf32>
      %div3A_44 = arith.divf %div3A_43, %mul3A_41 : vector<512x1xf32>
      %mul3A_45 = vector.broadcast %div3A_44 : vector<512x1xf32> to vector<512x2048xf32>
      %mul3A_46 = arith.mulf %exp3A, %mul3A_45 : vector<512x2048xf32>
      %reduce_sum3A_47 = arith.constant dense<0.000000e+00> : vector<512xf32>
      %reduce_sum3A_48 = vector.multi_reduction <add>, %mul3A_46, %reduce_sum3A_47 [1] : vector<512x2048xf32> to vector<512xf32>
      %broadcast_in_dim3A_49 = vector.shape_cast %reduce_sum3A_48 : vector<512xf32> to vector<512x1xf32>
      %add3A = arith.constant 9.99999993E-9 : f32
      %add3A_50 = vector.broadcast %add3A : f32 to vector<512x1xf32>
      %add3A_51 = arith.addf %broadcast_in_dim3A_49, %add3A_50 : vector<512x1xf32>
      %div3A_52 = arith.constant 1.000000e+00 : f32
      %div3A_53 = vector.broadcast %div3A_52 : f32 to vector<512x1xf32>
      %div3A_54 = arith.divf %div3A_53, %add3A_51 : vector<512x1xf32>
      %mul3A_55 = vector.broadcast %div3A_54 : vector<512x1xf32> to vector<512x2048xf32>
      %mul3A_56 = arith.mulf %mul3A_46, %mul3A_55 : vector<512x2048xf32>
      %swap3A = arith.index_cast %mul3A_0 : i32 to index
      %swap3A_57 = arith.constant 0 : index
      %swap3A_58 = vector.load %arg13[%swap3A, %swap3A_57] : memref<2048x2048xf32, #tpu.memory_space<vmem>>, vector<512x2048xf32>
      tpu.vector_store %arg13[%swap3A, %swap3A_57], %mul3A_56 {strides = array<i32>} : memref<2048x2048xf32, #tpu.memory_space<vmem>>, vector<512x2048xf32>,
      %get3A_59 = arith.constant 0 : index
      %get3A_60 = arith.constant 0 : index
      %get3A_61 = vector.load %arg14[%get3A_59, %get3A_60] : memref<8x2048xf32, #tpu.memory_space<vmem>>, vector<1x2048xf32>
      %reduce_sum3A_62 = arith.constant dense<0.000000e+00> : vector<2048xf32>
      %reduce_sum3A_63 = vector.multi_reduction <add>, %mul3A_56, %reduce_sum3A_62 [0] : vector<512x2048xf32> to vector<2048xf32>
      %broadcast_in_dim3A_64 = vector.shape_cast %reduce_sum3A_63 : vector<2048xf32> to vector<1x2048xf32>
      %add3A_65 = arith.addf %get3A_61, %broadcast_in_dim3A_64 : vector<1x2048xf32>
      %swap3A_66 = arith.constant 0 : index
      %swap3A_67 = arith.constant 0 : index
      %swap3A_68 = vector.load %arg14[%swap3A_66, %swap3A_67] : memref<8x2048xf32, #tpu.memory_space<vmem>>, vector<1x2048xf32>
      tpu.vector_store %arg14[%swap3A_66, %swap3A_67], %add3A_65 {strides = array<i32>} : memref<8x2048xf32, #tpu.memory_space<vmem>>, vector<1x2048xf32>,
    } else {
    }
    %eq3A_3 = arith.constant 1 : i32
    %eq3A_4 = arith.cmpi eq, %arg0, %eq3A_3 : i32
    %convert_element_type3A_5 = arith.extui %eq3A_4 : i1 to i32
    %cond3A_6 = arith.constant 0 : i32
    %cond3A_7 = arith.cmpi ne, %convert_element_type3A_5, %cond3A_6 : i32
    scf.if %cond3A_7 {
      %eq3A_18 = arith.constant 0 : i32
      %eq3A_19 = arith.cmpi eq, %arg1, %eq3A_18 : i32
      %convert_element_type3A_20 = arith.extui %eq3A_19 : i1 to i32
      %cond3A_21 = arith.constant 0 : i32
      %cond3A_22 = arith.cmpi ne, %convert_element_type3A_20, %cond3A_21 : i32
      scf.if %cond3A_22 {
        %broadcast_in_dim3A_55 = arith.constant 0.000000e+00 : f32
        %broadcast_in_dim3A_56 = vector.broadcast %broadcast_in_dim3A_55 : f32 to vector<1x2048xf32>
        %swap3A_57 = arith.constant 1 : index
        %swap3A_58 = arith.constant 0 : index
        %swap3A_59 = vector.load %arg14[%swap3A_57, %swap3A_58] : memref<8x2048xf32, #tpu.memory_space<vmem>>, vector<1x2048xf32>
        tpu.vector_store %arg14[%swap3A_57, %swap3A_58], %broadcast_in_dim3A_56 {strides = array<i32>} : memref<8x2048xf32, #tpu.memory_space<vmem>>, vector<1x2048xf32>,
      } else {
      }
      %get3A = arith.index_cast %mul3A_0 : i32 to index
      %get3A_23 = arith.constant 0 : index
      %get3A_24 = vector.load %arg13[%get3A, %get3A_23] : memref<2048x2048xf32, #tpu.memory_space<vmem>>, vector<512x2048xf32>
      %get3A_25 = arith.constant 0 : index
      %get3A_26 = arith.constant 0 : index
      %get3A_27 = vector.load %arg14[%get3A_25, %get3A_26] : memref<8x2048xf32, #tpu.memory_space<vmem>>, vector<1x2048xf32>
      %add3A = arith.constant 9.99999993E-9 : f32
      %add3A_28 = vector.broadcast %add3A : f32 to vector<1x2048xf32>
      %add3A_29 = arith.addf %get3A_27, %add3A_28 : vector<1x2048xf32>
      %div3A = arith.constant 1.000000e+00 : f32
      %div3A_30 = vector.broadcast %div3A : f32 to vector<1x2048xf32>
      %div3A_31 = arith.divf %div3A_30, %add3A_29 : vector<1x2048xf32>
      %mul3A_32 = vector.broadcast %div3A_31 : vector<1x2048xf32> to vector<512x2048xf32>
      %mul3A_33 = arith.mulf %get3A_24, %mul3A_32 : vector<512x2048xf32>
      %reduce_sum3A = arith.constant dense<0.000000e+00> : vector<512xf32>
      %reduce_sum3A_34 = vector.multi_reduction <add>, %mul3A_33, %reduce_sum3A [1] : vector<512x2048xf32> to vector<512xf32>
      %broadcast_in_dim3A = vector.shape_cast %reduce_sum3A_34 : vector<512xf32> to vector<512x1xf32>
      %add3A_35 = arith.constant 9.99999993E-9 : f32
      %add3A_36 = vector.broadcast %add3A_35 : f32 to vector<512x1xf32>
      %add3A_37 = arith.addf %broadcast_in_dim3A, %add3A_36 : vector<512x1xf32>
      %div3A_38 = arith.constant 1.000000e+00 : f32
      %div3A_39 = vector.broadcast %div3A_38 : f32 to vector<512x1xf32>
      %div3A_40 = arith.divf %div3A_39, %add3A_37 : vector<512x1xf32>
      %mul3A_41 = vector.broadcast %div3A_40 : vector<512x1xf32> to vector<512x2048xf32>
      %mul3A_42 = arith.mulf %mul3A_33, %mul3A_41 : vector<512x2048xf32>
      %swap3A = arith.index_cast %mul3A_0 : i32 to index
      %swap3A_43 = arith.constant 0 : index
      %swap3A_44 = vector.load %arg13[%swap3A, %swap3A_43] : memref<2048x2048xf32, #tpu.memory_space<vmem>>, vector<512x2048xf32>
      tpu.vector_store %arg13[%swap3A, %swap3A_43], %mul3A_42 {strides = array<i32>} : memref<2048x2048xf32, #tpu.memory_space<vmem>>, vector<512x2048xf32>,
      %get3A_45 = arith.constant 1 : index
      %get3A_46 = arith.constant 0 : index
      %get3A_47 = vector.load %arg14[%get3A_45, %get3A_46] : memref<8x2048xf32, #tpu.memory_space<vmem>>, vector<1x2048xf32>
      %reduce_sum3A_48 = arith.constant dense<0.000000e+00> : vector<2048xf32>
      %reduce_sum3A_49 = vector.multi_reduction <add>, %mul3A_42, %reduce_sum3A_48 [0] : vector<512x2048xf32> to vector<2048xf32>
      %broadcast_in_dim3A_50 = vector.shape_cast %reduce_sum3A_49 : vector<2048xf32> to vector<1x2048xf32>
      %add3A_51 = arith.addf %get3A_47, %broadcast_in_dim3A_50 : vector<1x2048xf32>
      %swap3A_52 = arith.constant 1 : index
      %swap3A_53 = arith.constant 0 : index
      %swap3A_54 = vector.load %arg14[%swap3A_52, %swap3A_53] : memref<8x2048xf32, #tpu.memory_space<vmem>>, vector<1x2048xf32>
      tpu.vector_store %arg14[%swap3A_52, %swap3A_53], %add3A_51 {strides = array<i32>} : memref<8x2048xf32, #tpu.memory_space<vmem>>, vector<1x2048xf32>,
    } else {
    }
    %eq3A_8 = arith.constant 2 : i32
    %eq3A_9 = arith.cmpi eq, %arg0, %eq3A_8 : i32
    %convert_element_type3A_10 = arith.extui %eq3A_9 : i1 to i32
    %cond3A_11 = arith.constant 0 : i32
    %cond3A_12 = arith.cmpi ne, %convert_element_type3A_10, %cond3A_11 : i32
    scf.if %cond3A_12 {
      %eq3A_18 = arith.constant 0 : i32
      %eq3A_19 = arith.cmpi eq, %arg1, %eq3A_18 : i32
      %convert_element_type3A_20 = arith.extui %eq3A_19 : i1 to i32
      %cond3A_21 = arith.constant 0 : i32
      %cond3A_22 = arith.cmpi ne, %convert_element_type3A_20, %cond3A_21 : i32
      scf.if %cond3A_22 {
        %broadcast_in_dim3A_55 = arith.constant 0.000000e+00 : f32
        %broadcast_in_dim3A_56 = vector.broadcast %broadcast_in_dim3A_55 : f32 to vector<1x2048xf32>
        %swap3A_57 = arith.constant 2 : index
        %swap3A_58 = arith.constant 0 : index
        %swap3A_59 = vector.load %arg14[%swap3A_57, %swap3A_58] : memref<8x2048xf32, #tpu.memory_space<vmem>>, vector<1x2048xf32>
        tpu.vector_store %arg14[%swap3A_57, %swap3A_58], %broadcast_in_dim3A_56 {strides = array<i32>} : memref<8x2048xf32, #tpu.memory_space<vmem>>, vector<1x2048xf32>,
      } else {
      }
      %get3A = arith.index_cast %mul3A_0 : i32 to index
      %get3A_23 = arith.constant 0 : index
      %get3A_24 = vector.load %arg13[%get3A, %get3A_23] : memref<2048x2048xf32, #tpu.memory_space<vmem>>, vector<512x2048xf32>
      %get3A_25 = arith.constant 1 : index
      %get3A_26 = arith.constant 0 : index
      %get3A_27 = vector.load %arg14[%get3A_25, %get3A_26] : memref<8x2048xf32, #tpu.memory_space<vmem>>, vector<1x2048xf32>
      %add3A = arith.constant 9.99999993E-9 : f32
      %add3A_28 = vector.broadcast %add3A : f32 to vector<1x2048xf32>
      %add3A_29 = arith.addf %get3A_27, %add3A_28 : vector<1x2048xf32>
      %div3A = arith.constant 1.000000e+00 : f32
      %div3A_30 = vector.broadcast %div3A : f32 to vector<1x2048xf32>
      %div3A_31 = arith.divf %div3A_30, %add3A_29 : vector<1x2048xf32>
      %mul3A_32 = vector.broadcast %div3A_31 : vector<1x2048xf32> to vector<512x2048xf32>
      %mul3A_33 = arith.mulf %get3A_24, %mul3A_32 : vector<512x2048xf32>
      %reduce_sum3A = arith.constant dense<0.000000e+00> : vector<512xf32>
      %reduce_sum3A_34 = vector.multi_reduction <add>, %mul3A_33, %reduce_sum3A [1] : vector<512x2048xf32> to vector<512xf32>
      %broadcast_in_dim3A = vector.shape_cast %reduce_sum3A_34 : vector<512xf32> to vector<512x1xf32>
      %add3A_35 = arith.constant 9.99999993E-9 : f32
      %add3A_36 = vector.broadcast %add3A_35 : f32 to vector<512x1xf32>
      %add3A_37 = arith.addf %broadcast_in_dim3A, %add3A_36 : vector<512x1xf32>
      %div3A_38 = arith.constant 1.000000e+00 : f32
      %div3A_39 = vector.broadcast %div3A_38 : f32 to vector<512x1xf32>
      %div3A_40 = arith.divf %div3A_39, %add3A_37 : vector<512x1xf32>
      %mul3A_41 = vector.broadcast %div3A_40 : vector<512x1xf32> to vector<512x2048xf32>
      %mul3A_42 = arith.mulf %mul3A_33, %mul3A_41 : vector<512x2048xf32>
      %swap3A = arith.index_cast %mul3A_0 : i32 to index
      %swap3A_43 = arith.constant 0 : index
      %swap3A_44 = vector.load %arg13[%swap3A, %swap3A_43] : memref<2048x2048xf32, #tpu.memory_space<vmem>>, vector<512x2048xf32>
      tpu.vector_store %arg13[%swap3A, %swap3A_43], %mul3A_42 {strides = array<i32>} : memref<2048x2048xf32, #tpu.memory_space<vmem>>, vector<512x2048xf32>,
      %get3A_45 = arith.constant 2 : index
      %get3A_46 = arith.constant 0 : index
      %get3A_47 = vector.load %arg14[%get3A_45, %get3A_46] : memref<8x2048xf32, #tpu.memory_space<vmem>>, vector<1x2048xf32>
      %reduce_sum3A_48 = arith.constant dense<0.000000e+00> : vector<2048xf32>
      %reduce_sum3A_49 = vector.multi_reduction <add>, %mul3A_42, %reduce_sum3A_48 [0] : vector<512x2048xf32> to vector<2048xf32>
      %broadcast_in_dim3A_50 = vector.shape_cast %reduce_sum3A_49 : vector<2048xf32> to vector<1x2048xf32>
      %add3A_51 = arith.addf %get3A_47, %broadcast_in_dim3A_50 : vector<1x2048xf32>
      %swap3A_52 = arith.constant 2 : index
      %swap3A_53 = arith.constant 0 : index
      %swap3A_54 = vector.load %arg14[%swap3A_52, %swap3A_53] : memref<8x2048xf32, #tpu.memory_space<vmem>>, vector<1x2048xf32>
      tpu.vector_store %arg14[%swap3A_52, %swap3A_53], %add3A_51 {strides = array<i32>} : memref<8x2048xf32, #tpu.memory_space<vmem>>, vector<1x2048xf32>,
    } else {
    }
    %eq3A_13 = arith.constant 3 : i32
    %eq3A_14 = arith.cmpi eq, %arg0, %eq3A_13 : i32
    %convert_element_type3A_15 = arith.extui %eq3A_14 : i1 to i32
    %cond3A_16 = arith.constant 0 : i32
    %cond3A_17 = arith.cmpi ne, %convert_element_type3A_15, %cond3A_16 : i32
    scf.if %cond3A_17 {
      %get3A = arith.constant 2 : index
      %get3A_18 = arith.constant 0 : index
      %get3A_19 = vector.load %arg14[%get3A, %get3A_18] : memref<8x2048xf32, #tpu.memory_space<vmem>>, vector<1x2048xf32>
      %eq3A_20 = arith.constant 0 : i32
      %eq3A_21 = arith.cmpi eq, %arg1, %eq3A_20 : i32
      %convert_element_type3A_22 = arith.extui %eq3A_21 : i1 to i32
      %cond3A_23 = arith.constant 0 : i32
      %cond3A_24 = arith.cmpi ne, %convert_element_type3A_22, %cond3A_23 : i32
      scf.if %cond3A_24 {
        %swap3A_133 = arith.constant 0.000000e+00 : f32
        %swap3A_134 = arith.constant 0 : index
        %swap3A_135 = arith.constant 0 : index
        %swap3A_136 = memref.load %arg9[%swap3A_134, %swap3A_135] : memref<1x1xf32, #tpu.memory_space<smem>>
        memref.store %swap3A_133, %arg9[%swap3A_134, %swap3A_135] : memref<1x1xf32, #tpu.memory_space<smem>>
        %swap3A_137 = arith.constant 0.000000e+00 : f32
        %swap3A_138 = arith.constant 0 : index
        %swap3A_139 = arith.constant 0 : index
        %swap3A_140 = memref.load %arg10[%swap3A_138, %swap3A_139] : memref<1x1xf32, #tpu.memory_space<smem>>
        memref.store %swap3A_137, %arg10[%swap3A_138, %swap3A_139] : memref<1x1xf32, #tpu.memory_space<smem>>
        %squeeze3A = vector.shape_cast %get3A_19 : vector<1x2048xf32> to vector<2048xf32>
        %add3A_141 = arith.constant 9.99999993E-9 : f32
        %add3A_142 = vector.broadcast %add3A_141 : f32 to vector<2048xf32>
        %add3A_143 = arith.addf %squeeze3A, %add3A_142 : vector<2048xf32>
        %div3A_144 = arith.divf %squeeze3A, %add3A_143 : vector<2048xf32>
        %add3A_145 = arith.constant 9.99999996E-13 : f32
        %add3A_146 = vector.broadcast %add3A_145 : f32 to vector<2048xf32>
        %add3A_147 = arith.addf %div3A_144, %add3A_146 : vector<2048xf32>
        %log3A_148 = math.log %add3A_147 : vector<2048xf32>
        %sub3A_149 = arith.constant 4.8828125E-4 : f32
        %sub3A_150 = vector.broadcast %sub3A_149 : f32 to vector<2048xf32>
        %sub3A_151 = arith.subf %log3A_148, %sub3A_150 : vector<2048xf32>
        %mul3A_152 = arith.mulf %div3A_144, %sub3A_151 : vector<2048xf32>
        %reduce_sum3A_153 = vector.shape_cast %mul3A_152 : vector<2048xf32> to vector<1x2048xf32>
        %reduce_sum3A_154 = arith.constant dense<0.000000e+00> : vector<1xf32>
        %reduce_sum3A_155 = vector.multi_reduction <add>, %reduce_sum3A_153, %reduce_sum3A_154 [1] : vector<1x2048xf32> to vector<1xf32>
        %reduce_sum3A_156 = vector.shape_cast %reduce_sum3A_155 : vector<1xf32> to vector<1x1xf32>
        %reduce_sum3A_157 = vector.extract %reduce_sum3A_156[0, 0] : f32 from vector<1x1xf32>
        %swap3A_158 = arith.constant 0 : index
        %swap3A_159 = arith.constant 0 : index
        %swap3A_160 = memref.load %arg11[%swap3A_158, %swap3A_159] : memref<1x1xf32, #tpu.memory_space<smem>>
        memref.store %reduce_sum3A_157, %arg11[%swap3A_158, %swap3A_159] : memref<1x1xf32, #tpu.memory_space<smem>>
        %eq3A_161 = arith.constant 0.000000e+00 : f32
        %eq3A_162 = vector.broadcast %eq3A_161 : f32 to vector<2048xf32>
        %eq3A_163 = arith.cmpf oeq, %squeeze3A, %eq3A_162 : vector<2048xf32>
        %convert_element_type3A_164 = arith.extui %eq3A_163 : vector<2048xi1> to vector<2048xi32>
        %convert_element_type3A_165 = arith.sitofp %convert_element_type3A_164 : vector<2048xi32> to vector<2048xf32>
        %reduce_sum3A_166 = vector.shape_cast %convert_element_type3A_165 : vector<2048xf32> to vector<1x2048xf32>
        %reduce_sum3A_167 = arith.constant dense<0.000000e+00> : vector<1xf32>
        %reduce_sum3A_168 = vector.multi_reduction <add>, %reduce_sum3A_166, %reduce_sum3A_167 [1] : vector<1x2048xf32> to vector<1xf32>
        %reduce_sum3A_169 = vector.shape_cast %reduce_sum3A_168 : vector<1xf32> to vector<1x1xf32>
        %reduce_sum3A_170 = vector.extract %reduce_sum3A_169[0, 0] : f32 from vector<1x1xf32>
        %swap3A_171 = arith.constant 0 : index
        %swap3A_172 = arith.constant 0 : index
        %swap3A_173 = memref.load %arg12[%swap3A_171, %swap3A_172] : memref<1x1xf32, #tpu.memory_space<smem>>
        memref.store %reduce_sum3A_170, %arg12[%swap3A_171, %swap3A_172] : memref<1x1xf32, #tpu.memory_space<smem>>
      } else {
      }
      %get3A_25 = arith.index_cast %mul3A_0 : i32 to index
      %get3A_26 = arith.constant 0 : index
      %get3A_27 = vector.load %arg13[%get3A_25, %get3A_26] : memref<2048x2048xf32, #tpu.memory_space<vmem>>, vector<512x2048xf32>
      %add3A = arith.constant 9.99999993E-9 : f32
      %add3A_28 = vector.broadcast %add3A : f32 to vector<1x2048xf32>
      %add3A_29 = arith.addf %get3A_19, %add3A_28 : vector<1x2048xf32>
      %div3A = arith.constant 1.000000e+00 : f32
      %div3A_30 = vector.broadcast %div3A : f32 to vector<1x2048xf32>
      %div3A_31 = arith.divf %div3A_30, %add3A_29 : vector<1x2048xf32>
      %mul3A_32 = vector.broadcast %div3A_31 : vector<1x2048xf32> to vector<512x2048xf32>
      %mul3A_33 = arith.mulf %get3A_27, %mul3A_32 : vector<512x2048xf32>
      %reduce_sum3A = arith.constant dense<0.000000e+00> : vector<512xf32>
      %reduce_sum3A_34 = vector.multi_reduction <add>, %mul3A_33, %reduce_sum3A [1] : vector<512x2048xf32> to vector<512xf32>
      %broadcast_in_dim3A = vector.shape_cast %reduce_sum3A_34 : vector<512xf32> to vector<512x1xf32>
      %div3A_35 = arith.constant 1.000000e+00 : f32
      %div3A_36 = vector.broadcast %div3A_35 : f32 to vector<512x1xf32>
      %div3A_37 = arith.divf %div3A_36, %broadcast_in_dim3A : vector<512x1xf32>
      %mul3A_38 = vector.broadcast %div3A_37 : vector<512x1xf32> to vector<512x2048xf32>
      %mul3A_39 = arith.mulf %mul3A_33, %mul3A_38 : vector<512x2048xf32>
      %convert_element_type3A_40 = arith.truncf %mul3A_39 : vector<512x2048xf32> to vector<512x2048xbf16>
      %swap3A = arith.constant 0 : index
      %swap3A_41 = arith.constant 0 : index
      %swap3A_42 = vector.load %arg7[%swap3A, %swap3A_41] : memref<512x2048xbf16, #tpu.memory_space<vmem>>, vector<512x2048xbf16>
      tpu.vector_store %arg7[%swap3A, %swap3A_41], %convert_element_type3A_40 {strides = array<i32>} : memref<512x2048xbf16, #tpu.memory_space<vmem>>, vector<512x2048xbf16>,
      %add3A_43 = arith.constant 9.99999993E-9 : f32
      %add3A_44 = vector.broadcast %add3A_43 : f32 to vector<1x2048xf32>
      %add3A_45 = arith.addf %get3A_19, %add3A_44 : vector<1x2048xf32>
      %div3A_46 = arith.divf %get3A_19, %add3A_45 : vector<1x2048xf32>
      %div3A_47 = arith.constant 1.000000e+00 : f32
      %div3A_48 = vector.broadcast %div3A_47 : f32 to vector<1x2048xf32>
      %div3A_49 = arith.divf %div3A_48, %div3A_46 : vector<1x2048xf32>
      %mul3A_50 = vector.broadcast %div3A_49 : vector<1x2048xf32> to vector<512x2048xf32>
      %mul3A_51 = arith.mulf %mul3A_33, %mul3A_50 : vector<512x2048xf32>
      %convert_element_type3A_52 = arith.truncf %mul3A_51 : vector<512x2048xf32> to vector<512x2048xbf16>
      %swap3A_53 = arith.constant 0 : index
      %swap3A_54 = arith.constant 0 : index
      %swap3A_55 = vector.load %arg8[%swap3A_53, %swap3A_54] : memref<512x2048xbf16, #tpu.memory_space<vmem>>, vector<512x2048xbf16>
      tpu.vector_store %arg8[%swap3A_53, %swap3A_54], %convert_element_type3A_52 {strides = array<i32>} : memref<512x2048xbf16, #tpu.memory_space<vmem>>, vector<512x2048xbf16>,
      %get3A_56 = arith.constant 0 : index
      %get3A_57 = arith.constant 0 : index
      %get3A_58 = memref.load %arg12[%get3A_56, %get3A_57] : memref<1x1xf32, #tpu.memory_space<smem>>
      %eq3A_59 = arith.constant 0.000000e+00 : f32
      %eq3A_60 = vector.broadcast %eq3A_59 : f32 to vector<512x1xf32>
      %eq3A_61 = arith.cmpf oeq, %broadcast_in_dim3A, %eq3A_60 : vector<512x1xf32>
      %convert_element_type3A_62 = arith.extui %eq3A_61 : vector<512x1xi1> to vector<512x1xi32>
      %convert_element_type3A_63 = arith.sitofp %convert_element_type3A_62 : vector<512x1xi32> to vector<512x1xf32>
      %reduce_sum3A_64 = vector.shape_cast %convert_element_type3A_63 : vector<512x1xf32> to vector<1x512x1xf32>
      %reduce_sum3A_65 = arith.constant dense<0.000000e+00> : vector<1xf32>
      %reduce_sum3A_66 = vector.multi_reduction <add>, %reduce_sum3A_64, %reduce_sum3A_65 [1, 2] : vector<1x512x1xf32> to vector<1xf32>
      %reduce_sum3A_67 = vector.shape_cast %reduce_sum3A_66 : vector<1xf32> to vector<1x1x1xf32>
      %reduce_sum3A_68 = vector.extract %reduce_sum3A_67[0, 0, 0] : f32 from vector<1x1x1xf32>
      %add3A_69 = arith.addf %get3A_58, %reduce_sum3A_68 : f32
      %swap3A_70 = arith.constant 0 : index
      %swap3A_71 = arith.constant 0 : index
      %swap3A_72 = memref.load %arg12[%swap3A_70, %swap3A_71] : memref<1x1xf32, #tpu.memory_space<smem>>
      memref.store %add3A_69, %arg12[%swap3A_70, %swap3A_71] : memref<1x1xf32, #tpu.memory_space<smem>>
      %get3A_73 = arith.constant 0 : index
      %get3A_74 = arith.constant 0 : index
      %get3A_75 = arith.constant 0 : index
      %get3A_76 = vector.load %arg5[%get3A_73, %get3A_74, %get3A_75] : memref<1x1x512xf32, #tpu.memory_space<vmem>>, vector<1x1x512xf32>
      %get3A_77 = vector.shape_cast %get3A_76 : vector<1x1x512xf32> to vector<512xf32>
      %broadcast_in_dim3A_78 = vector.shape_cast %get3A_77 : vector<512xf32> to vector<512x1xf32>
      %get3A_79 = arith.constant 0 : index
      %get3A_80 = arith.constant 0 : index
      %get3A_81 = arith.constant 0 : index
      %get3A_82 = vector.load %arg6[%get3A_79, %get3A_80, %get3A_81] : memref<1x1x2048xf32, #tpu.memory_space<vmem>>, vector<1x1x2048xf32>
      %get3A_83 = vector.shape_cast %get3A_82 : vector<1x1x2048xf32> to vector<2048xf32>
      %broadcast_in_dim3A_84 = vector.shape_cast %get3A_83 : vector<2048xf32> to vector<1x2048xf32>
      %add3A_85 = vector.broadcast %broadcast_in_dim3A_78 : vector<512x1xf32> to vector<512x2048xf32>
      %add3A_86 = vector.broadcast %broadcast_in_dim3A_84 : vector<1x2048xf32> to vector<512x2048xf32>
      %add3A_87 = arith.addf %add3A_85, %add3A_86 : vector<512x2048xf32>
      %get3A_88 = arith.constant 0 : index
      %get3A_89 = arith.constant 0 : index
      %get3A_90 = arith.constant 0 : index
      %get3A_91 = vector.load %arg3[%get3A_88, %get3A_89, %get3A_90] : memref<1x512x128xf32, #tpu.memory_space<vmem>>, vector<1x512x128xf32>
      %get3A_92 = vector.shape_cast %get3A_91 : vector<1x512x128xf32> to vector<512x128xf32>
      %get3A_93 = arith.constant 0 : index
      %get3A_94 = arith.constant 0 : index
      %get3A_95 = arith.constant 0 : index
      %get3A_96 = vector.load %arg4[%get3A_93, %get3A_94, %get3A_95] : memref<1x2048x128xf32, #tpu.memory_space<vmem>>, vector<1x2048x128xf32>
      %get3A_97 = vector.shape_cast %get3A_96 : vector<1x2048x128xf32> to vector<2048x128xf32>
      %dot_general3A = arith.constant dense<0.000000e+00> : vector<512x2048xf32>
      %dot_general3A_98 = tpu.matmul %get3A_92, %get3A_97, %dot_general3A {dimension_numbers = #tpu.dot_dimension_numbers<[1], [1], [0], [0], [0, 0, 1, 0], [], []>, precision = #tpu.contract_precision<fp32>, transpose_lhs_hint = false} : vector<512x128xf32>, vector<2048x128xf32>, vector<512x2048xf32> -> vector<512x2048xf32>
      %mul3A_99 = arith.constant 2.000000e+00 : f32
      %mul3A_100 = vector.broadcast %mul3A_99 : f32 to vector<512x2048xf32>
      %mul3A_101 = arith.mulf %mul3A_100, %dot_general3A_98 : vector<512x2048xf32>
      %sub3A = arith.subf %add3A_87, %mul3A_101 : vector<512x2048xf32>
      %max3A = arith.constant 0.000000e+00 : f32
      %max3A_102 = vector.broadcast %max3A : f32 to vector<512x2048xf32>
      %max3A_103 = arith.maximumf %sub3A, %max3A_102 : vector<512x2048xf32>
      %sqrt3A = math.sqrt %max3A_103 : vector<512x2048xf32>
      %get3A_104 = arith.constant 0 : index
      %get3A_105 = arith.constant 0 : index
      %get3A_106 = memref.load %arg9[%get3A_104, %get3A_105] : memref<1x1xf32, #tpu.memory_space<smem>>
      %mul3A_107 = arith.mulf %mul3A_33, %sqrt3A : vector<512x2048xf32>
      %reduce_sum3A_108 = vector.shape_cast %mul3A_107 : vector<512x2048xf32> to vector<1x512x2048xf32>
      %reduce_sum3A_109 = arith.constant dense<0.000000e+00> : vector<1xf32>
      %reduce_sum3A_110 = vector.multi_reduction <add>, %reduce_sum3A_108, %reduce_sum3A_109 [1, 2] : vector<1x512x2048xf32> to vector<1xf32>
      %reduce_sum3A_111 = vector.shape_cast %reduce_sum3A_110 : vector<1xf32> to vector<1x1x1xf32>
      %reduce_sum3A_112 = vector.extract %reduce_sum3A_111[0, 0, 0] : f32 from vector<1x1x1xf32>
      %add3A_113 = arith.addf %get3A_106, %reduce_sum3A_112 : f32
      %swap3A_114 = arith.constant 0 : index
      %swap3A_115 = arith.constant 0 : index
      %swap3A_116 = memref.load %arg9[%swap3A_114, %swap3A_115] : memref<1x1xf32, #tpu.memory_space<smem>>
      memref.store %add3A_113, %arg9[%swap3A_114, %swap3A_115] : memref<1x1xf32, #tpu.memory_space<smem>>
      %get3A_117 = arith.constant 0 : index
      %get3A_118 = arith.constant 0 : index
      %get3A_119 = memref.load %arg10[%get3A_117, %get3A_118] : memref<1x1xf32, #tpu.memory_space<smem>>
      %add3A_120 = arith.constant 1.000000e-10 : f32
      %add3A_121 = vector.broadcast %add3A_120 : f32 to vector<512x2048xf32>
      %add3A_122 = arith.addf %mul3A_33, %add3A_121 : vector<512x2048xf32>
      %log3A = math.log %add3A_122 : vector<512x2048xf32>
      %mul3A_123 = arith.mulf %mul3A_33, %log3A : vector<512x2048xf32>
      %reduce_sum3A_124 = vector.shape_cast %mul3A_123 : vector<512x2048xf32> to vector<1x512x2048xf32>
      %reduce_sum3A_125 = arith.constant dense<0.000000e+00> : vector<1xf32>
      %reduce_sum3A_126 = vector.multi_reduction <add>, %reduce_sum3A_124, %reduce_sum3A_125 [1, 2] : vector<1x512x2048xf32> to vector<1xf32>
      %reduce_sum3A_127 = vector.shape_cast %reduce_sum3A_126 : vector<1xf32> to vector<1x1x1xf32>
      %reduce_sum3A_128 = vector.extract %reduce_sum3A_127[0, 0, 0] : f32 from vector<1x1x1xf32>
      %add3A_129 = arith.addf %get3A_119, %reduce_sum3A_128 : f32
      %swap3A_130 = arith.constant 0 : index
      %swap3A_131 = arith.constant 0 : index
      %swap3A_132 = memref.load %arg10[%swap3A_130, %swap3A_131] : memref<1x1xf32, #tpu.memory_space<smem>>
      memref.store %add3A_129, %arg10[%swap3A_130, %swap3A_131] : memref<1x1xf32, #tpu.memory_space<smem>>
    } else {
    }
    return
  }
  func.func @transform_0(%arg0: i32, %arg1: i32) -> (i32, i32) {
    %c0_i32 = arith.constant 0 : i32
    %c0_i32_0 = arith.constant 0 : i32
    %c0_i32_1 = arith.constant 0 : i32
    return %c0_i32, %c0_i32_0 : i32, i32
  }
  func.func @transform_1(%arg0: i32, %arg1: i32) -> (i32, i32, i32) {
    %c0_i32 = arith.constant 0 : i32
    %c0_i32_0 = arith.constant 0 : i32
    %c0_i32_1 = arith.constant 0 : i32
    return %c0_i32, %arg1, %c0_i32_0 : i32, i32, i32
  }
  func.func @transform_2(%arg0: i32, %arg1: i32) -> (i32, i32, i32) {
    %c1_i32 = arith.constant 1 : i32
    %c0_i32 = arith.constant 0 : i32
    %c0_i32_0 = arith.constant 0 : i32
    %c0_i32_1 = arith.constant 0 : i32
    return %c1_i32, %c0_i32, %c0_i32_0 : i32, i32, i32
  }
  func.func @transform_3(%arg0: i32, %arg1: i32) -> (i32, i32, i32) {
    %c0_i32 = arith.constant 0 : i32
    %c0_i32_0 = arith.constant 0 : i32
    %c0_i32_1 = arith.constant 0 : i32
    return %c0_i32, %c0_i32_0, %arg1 : i32, i32, i32
  }
  func.func @transform_4(%arg0: i32, %arg1: i32) -> (i32, i32, i32) {
    %c1_i32 = arith.constant 1 : i32
    %c0_i32 = arith.constant 0 : i32
    %c0_i32_0 = arith.constant 0 : i32
    %c0_i32_1 = arith.constant 0 : i32
    return %c1_i32, %c0_i32, %c0_i32_0 : i32, i32, i32
  }
  func.func @transform_5(%arg0: i32, %arg1: i32) -> (i32, i32) {
    %eq3A = arith.constant 3 : i32
    %eq3A_0 = arith.cmpi eq, %arg0, %eq3A : i32
    %jit3A = arith.constant 0 : i32
    %select_n3A = arith.select %eq3A_0, %arg1, %jit3A : i32
    %c0_i32 = arith.constant 0 : i32
    %c0_i32_1 = arith.constant 0 : i32
    return %select_n3A, %c0_i32 : i32, i32
  }
  func.func @transform_6(%arg0: i32, %arg1: i32) -> (i32, i32) {
    %eq3A = arith.constant 3 : i32
    %eq3A_0 = arith.cmpi eq, %arg0, %eq3A : i32
    %jit3A = arith.constant 0 : i32
    %select_n3A = arith.select %eq3A_0, %arg1, %jit3A : i32
    %c0_i32 = arith.constant 0 : i32
    %c0_i32_1 = arith.constant 0 : i32
    return %select_n3A, %c0_i32 : i32, i32
  }
  func.func @transform_7(%arg0: i32, %arg1: i32) -> (i32, i32) {
    %c0_i32 = arith.constant 0 : i32
    %c0_i32_0 = arith.constant 0 : i32
    %c0_i32_1 = arith.constant 0 : i32
    return %c0_i32, %c0_i32_0 : i32, i32
  }
  func.func @transform_8(%arg0: i32, %arg1: i32) -> (i32, i32) {
    %c0_i32 = arith.constant 0 : i32
    %c0_i32_0 = arith.constant 0 : i32
    %c0_i32_1 = arith.constant 0 : i32
    return %c0_i32, %c0_i32_0 : i32, i32
  }
  func.func @transform_9(%arg0: i32, %arg1: i32) -> (i32, i32) {
    %c0_i32 = arith.constant 0 : i32
    %c0_i32_0 = arith.constant 0 : i32
    %c0_i32_1 = arith.constant 0 : i32
    return %c0_i32, %c0_i32_0 : i32, i32
  }
  func.func @transform_10(%arg0: i32, %arg1: i32) -> (i32, i32) {
    %c0_i32 = arith.constant 0 : i32
    %c0_i32_0 = arith.constant 0 : i32
    %c0_i32_1 = arith.constant 0 : i32
    return %c0_i32, %c0_i32_0 : i32, i32
  }
}

module attributes {stable_mosaic.version = 14 : i64} {
  func.func @_t2_body(%arg0: i32, %arg1: memref<512x2048xf32, #tpu.memory_space<vmem>>, %arg2: memref<2048x2048xbf16, #tpu.memory_space<vmem>>, %arg3: memref<512x2048xbf16, #tpu.memory_space<vmem>>) attributes {dimension_semantics = [#tpu.dimension_semantics<arbitrary>], iteration_bounds = array<i64: 4>, scalar_prefetch = 0 : i64, scratch_operands = 0 : i64, tpu.core_type = #tpu.core_type<tc>, window_params = [{transform_indices = @transform_0, window_bounds = array<i64: 512, 2048>}, {pipeline_mode = #tpu.pipeline_mode<synchronous>, transform_indices = @transform_1, window_bounds = array<i64: 2048, 2048>}, {transform_indices = @transform_2, window_bounds = array<i64: 512, 2048>}]} {
    %get3A = arith.constant 0 : index
    %get3A_0 = arith.constant 0 : index
    %get3A_1 = vector.load %arg1[%get3A, %get3A_0] : memref<512x2048xf32, #tpu.memory_space<vmem>>, vector<512x2048xf32>
    %convert_element_type3A = arith.truncf %get3A_1 : vector<512x2048xf32> to vector<512x2048xbf16>
    %get3A_2 = arith.constant 0 : index
    %get3A_3 = arith.constant 0 : index
    %get3A_4 = vector.load %arg2[%get3A_2, %get3A_3] : memref<2048x2048xbf16, #tpu.memory_space<vmem>>, vector<2048x2048xbf16>
    %dot_general3A = arith.constant dense<0.000000e+00> : vector<512x2048xf32>
    %dot_general3A_5 = tpu.matmul %convert_element_type3A, %get3A_4, %dot_general3A {dimension_numbers = #tpu.dot_dimension_numbers<[1], [0], [0], [1], [0, 0, 1, 1], [], []>, transpose_lhs_hint = false} : vector<512x2048xbf16>, vector<2048x2048xbf16>, vector<512x2048xf32> -> vector<512x2048xf32>
    %convert_element_type3A_6 = arith.truncf %dot_general3A_5 : vector<512x2048xf32> to vector<512x2048xbf16>
    %swap3A = arith.constant 0 : index
    %swap3A_7 = arith.constant 0 : index
    %swap3A_8 = vector.load %arg3[%swap3A, %swap3A_7] : memref<512x2048xbf16, #tpu.memory_space<vmem>>, vector<512x2048xbf16>
    tpu.vector_store %arg3[%swap3A, %swap3A_7], %convert_element_type3A_6 {strides = array<i32>} : memref<512x2048xbf16, #tpu.memory_space<vmem>>, vector<512x2048xbf16>,
    return
  }
  func.func @transform_0(%arg0: i32) -> (i32, i32) {
    %c0_i32 = arith.constant 0 : i32
    %c0_i32_0 = arith.constant 0 : i32
    return %arg0, %c0_i32 : i32, i32
  }
  func.func @transform_1(%arg0: i32) -> (i32, i32) {
    %c0_i32 = arith.constant 0 : i32
    %c0_i32_0 = arith.constant 0 : i32
    %c0_i32_1 = arith.constant 0 : i32
    return %c0_i32, %c0_i32_0 : i32, i32
  }
  func.func @transform_2(%arg0: i32) -> (i32, i32) {
    %c0_i32 = arith.constant 0 : i32
    %c0_i32_0 = arith.constant 0 : i32
    return %arg0, %c0_i32 : i32, i32
  }
}

module attributes {stable_mosaic.version = 14 : i64} {
  func.func @_p2_body(%arg0: i32, %arg1: memref<2048x512xbf16, #tpu.memory_space<vmem>>, %arg2: memref<2048x2048xbf16, #tpu.memory_space<vmem>>, %arg3: memref<512x2048xf32, #tpu.memory_space<vmem>>, %arg4: memref<2048x512xbf16, #tpu.memory_space<vmem>>, %arg5: memref<512x512xf32, #tpu.memory_space<vmem>>, %arg6: memref<1x1xf32, #tpu.memory_space<smem>>, %arg7: memref<1x1xf32, #tpu.memory_space<smem>>) attributes {dimension_semantics = [#tpu.dimension_semantics<arbitrary>], iteration_bounds = array<i64: 4>, scalar_prefetch = 0 : i64, scratch_operands = 0 : i64, tpu.core_type = #tpu.core_type<tc>, window_params = [{transform_indices = @transform_0, window_bounds = array<i64: 2048, 512>}, {pipeline_mode = #tpu.pipeline_mode<synchronous>, transform_indices = @transform_1, window_bounds = array<i64: 2048, 2048>}, {transform_indices = @transform_2, window_bounds = array<i64: 512, 2048>}, {pipeline_mode = #tpu.pipeline_mode<synchronous>, transform_indices = @transform_3, window_bounds = array<i64: 2048, 512>}, {transform_indices = @transform_4, window_bounds = array<i64: 512, 512>}, {transform_indices = @transform_5, window_bounds = array<i64: 1, 1>}, {transform_indices = @transform_6, window_bounds = array<i64: 1, 1>}]} {
    %eq3A = arith.constant 0 : i32
    %eq3A_0 = arith.cmpi eq, %arg0, %eq3A : i32
    %convert_element_type3A = arith.extui %eq3A_0 : i1 to i32
    %cond3A = arith.constant 0 : i32
    %cond3A_1 = arith.cmpi ne, %convert_element_type3A, %cond3A : i32
    scf.if %cond3A_1 {
      %swap3A_45 = arith.constant 0.000000e+00 : f32
      %swap3A_46 = arith.constant 0 : index
      %swap3A_47 = arith.constant 0 : index
      %swap3A_48 = memref.load %arg6[%swap3A_46, %swap3A_47] : memref<1x1xf32, #tpu.memory_space<smem>>
      memref.store %swap3A_45, %arg6[%swap3A_46, %swap3A_47] : memref<1x1xf32, #tpu.memory_space<smem>>
      %swap3A_49 = arith.constant 0.000000e+00 : f32
      %swap3A_50 = arith.constant 0 : index
      %swap3A_51 = arith.constant 0 : index
      %swap3A_52 = memref.load %arg7[%swap3A_50, %swap3A_51] : memref<1x1xf32, #tpu.memory_space<smem>>
      memref.store %swap3A_49, %arg7[%swap3A_50, %swap3A_51] : memref<1x1xf32, #tpu.memory_space<smem>>
    } else {
    }
    %get3A = arith.constant 0 : index
    %get3A_2 = arith.constant 0 : index
    %get3A_3 = vector.load %arg1[%get3A, %get3A_2] : memref<2048x512xbf16, #tpu.memory_space<vmem>>, vector<2048x512xbf16>
    %get3A_4 = arith.constant 0 : index
    %get3A_5 = arith.constant 0 : index
    %get3A_6 = vector.load %arg2[%get3A_4, %get3A_5] : memref<2048x2048xbf16, #tpu.memory_space<vmem>>, vector<2048x2048xbf16>
    %dot_general3A = arith.constant dense<0.000000e+00> : vector<512x2048xf32>
    %dot_general3A_7 = tpu.matmul %get3A_3, %get3A_6, %dot_general3A {dimension_numbers = #tpu.dot_dimension_numbers<[0], [0], [1], [1], [0, 1, 1, 1], [], []>, transpose_lhs_hint = false} : vector<2048x512xbf16>, vector<2048x2048xbf16>, vector<512x2048xf32> -> vector<512x2048xf32>
    %get3A_8 = arith.constant 0 : index
    %get3A_9 = arith.constant 0 : index
    %get3A_10 = vector.load %arg3[%get3A_8, %get3A_9] : memref<512x2048xf32, #tpu.memory_space<vmem>>, vector<512x2048xf32>
    %sub3A = arith.subf %get3A_10, %dot_general3A_7 : vector<512x2048xf32>
    %get3A_11 = arith.constant 0 : index
    %get3A_12 = arith.constant 0 : index
    %get3A_13 = memref.load %arg6[%get3A_11, %get3A_12] : memref<1x1xf32, #tpu.memory_space<smem>>
    %mul3A = arith.mulf %sub3A, %sub3A : vector<512x2048xf32>
    %reduce_sum3A = vector.shape_cast %mul3A : vector<512x2048xf32> to vector<1x512x2048xf32>
    %reduce_sum3A_14 = arith.constant dense<0.000000e+00> : vector<1xf32>
    %reduce_sum3A_15 = vector.multi_reduction <add>, %reduce_sum3A, %reduce_sum3A_14 [1, 2] : vector<1x512x2048xf32> to vector<1xf32>
    %reduce_sum3A_16 = vector.shape_cast %reduce_sum3A_15 : vector<1xf32> to vector<1x1x1xf32>
    %reduce_sum3A_17 = vector.extract %reduce_sum3A_16[0, 0, 0] : f32 from vector<1x1x1xf32>
    %add3A = arith.addf %get3A_13, %reduce_sum3A_17 : f32
    %swap3A = arith.constant 0 : index
    %swap3A_18 = arith.constant 0 : index
    %swap3A_19 = memref.load %arg6[%swap3A, %swap3A_18] : memref<1x1xf32, #tpu.memory_space<smem>>
    memref.store %add3A, %arg6[%swap3A, %swap3A_18] : memref<1x1xf32, #tpu.memory_space<smem>>
    %get3A_20 = arith.constant 0 : index
    %get3A_21 = arith.constant 0 : index
    %get3A_22 = vector.load %arg5[%get3A_20, %get3A_21] : memref<512x512xf32, #tpu.memory_space<vmem>>, vector<512x512xf32>
    %get3A_23 = arith.constant 0 : index
    %get3A_24 = arith.constant 0 : index
    %get3A_25 = vector.load %arg1[%get3A_23, %get3A_24] : memref<2048x512xbf16, #tpu.memory_space<vmem>>, vector<2048x512xbf16>
    %get3A_26 = arith.constant 0 : index
    %get3A_27 = arith.constant 0 : index
    %get3A_28 = vector.load %arg4[%get3A_26, %get3A_27] : memref<2048x512xbf16, #tpu.memory_space<vmem>>, vector<2048x512xbf16>
    %dot_general3A_29 = arith.constant dense<0.000000e+00> : vector<512x512xf32>
    %dot_general3A_30 = tpu.matmul %get3A_25, %get3A_28, %dot_general3A_29 {dimension_numbers = #tpu.dot_dimension_numbers<[0], [0], [1], [1], [0, 1, 1, 1], [], []>, transpose_lhs_hint = false} : vector<2048x512xbf16>, vector<2048x512xbf16>, vector<512x512xf32> -> vector<512x512xf32>
    %sub3A_31 = arith.subf %get3A_22, %dot_general3A_30 : vector<512x512xf32>
    %get3A_32 = arith.constant 0 : index
    %get3A_33 = arith.constant 0 : index
    %get3A_34 = memref.load %arg7[%get3A_32, %get3A_33] : memref<1x1xf32, #tpu.memory_space<smem>>
    %mul3A_35 = arith.mulf %sub3A_31, %sub3A_31 : vector<512x512xf32>
    %reduce_sum3A_36 = vector.shape_cast %mul3A_35 : vector<512x512xf32> to vector<1x512x512xf32>
    %reduce_sum3A_37 = arith.constant dense<0.000000e+00> : vector<1xf32>
    %reduce_sum3A_38 = vector.multi_reduction <add>, %reduce_sum3A_36, %reduce_sum3A_37 [1, 2] : vector<1x512x512xf32> to vector<1xf32>
    %reduce_sum3A_39 = vector.shape_cast %reduce_sum3A_38 : vector<1xf32> to vector<1x1x1xf32>
    %reduce_sum3A_40 = vector.extract %reduce_sum3A_39[0, 0, 0] : f32 from vector<1x1x1xf32>
    %add3A_41 = arith.addf %get3A_34, %reduce_sum3A_40 : f32
    %swap3A_42 = arith.constant 0 : index
    %swap3A_43 = arith.constant 0 : index
    %swap3A_44 = memref.load %arg7[%swap3A_42, %swap3A_43] : memref<1x1xf32, #tpu.memory_space<smem>>
    memref.store %add3A_41, %arg7[%swap3A_42, %swap3A_43] : memref<1x1xf32, #tpu.memory_space<smem>>
    return
  }
  func.func @transform_0(%arg0: i32) -> (i32, i32) {
    %c0_i32 = arith.constant 0 : i32
    %c0_i32_0 = arith.constant 0 : i32
    return %c0_i32, %arg0 : i32, i32
  }
  func.func @transform_1(%arg0: i32) -> (i32, i32) {
    %c0_i32 = arith.constant 0 : i32
    %c0_i32_0 = arith.constant 0 : i32
    %c0_i32_1 = arith.constant 0 : i32
    return %c0_i32, %c0_i32_0 : i32, i32
  }
  func.func @transform_2(%arg0: i32) -> (i32, i32) {
    %c0_i32 = arith.constant 0 : i32
    %c0_i32_0 = arith.constant 0 : i32
    return %arg0, %c0_i32 : i32, i32
  }
  func.func @transform_3(%arg0: i32) -> (i32, i32) {
    %c0_i32 = arith.constant 0 : i32
    %c0_i32_0 = arith.constant 0 : i32
    %c0_i32_1 = arith.constant 0 : i32
    return %c0_i32, %c0_i32_0 : i32, i32
  }
  func.func @transform_4(%arg0: i32) -> (i32, i32) {
    %c0_i32 = arith.constant 0 : i32
    %c0_i32_0 = arith.constant 0 : i32
    return %arg0, %c0_i32 : i32, i32
  }
  func.func @transform_5(%arg0: i32) -> (i32, i32) {
    %c0_i32 = arith.constant 0 : i32
    %c0_i32_0 = arith.constant 0 : i32
    %c0_i32_1 = arith.constant 0 : i32
    return %c0_i32, %c0_i32_0 : i32, i32
  }
  func.func @transform_6(%arg0: i32) -> (i32, i32) {
    %c0_i32 = arith.constant 0 : i32
    %c0_i32_0 = arith.constant 0 : i32
    %c0_i32_1 = arith.constant 0 : i32
    return %c0_i32, %c0_i32_0 : i32, i32
  }
}

module attributes {stable_mosaic.version = 14 : i64} {
  func.func @_t1_body(%arg0: i32, %arg1: memref<512x2048xf32, #tpu.memory_space<vmem>>, %arg2: memref<2048x2048xbf16, #tpu.memory_space<vmem>>, %arg3: memref<512x2048xbf16, #tpu.memory_space<vmem>>) attributes {dimension_semantics = [#tpu.dimension_semantics<arbitrary>], iteration_bounds = array<i64: 4>, scalar_prefetch = 0 : i64, scratch_operands = 0 : i64, tpu.core_type = #tpu.core_type<tc>, window_params = [{transform_indices = @transform_0, window_bounds = array<i64: 512, 2048>}, {pipeline_mode = #tpu.pipeline_mode<synchronous>, transform_indices = @transform_1, window_bounds = array<i64: 2048, 2048>}, {transform_indices = @transform_2, window_bounds = array<i64: 512, 2048>}]} {
    %get3A = arith.constant 0 : index
    %get3A_0 = arith.constant 0 : index
    %get3A_1 = vector.load %arg1[%get3A, %get3A_0] : memref<512x2048xf32, #tpu.memory_space<vmem>>, vector<512x2048xf32>
    %convert_element_type3A = arith.truncf %get3A_1 : vector<512x2048xf32> to vector<512x2048xbf16>
    %get3A_2 = arith.constant 0 : index
    %get3A_3 = arith.constant 0 : index
    %get3A_4 = vector.load %arg2[%get3A_2, %get3A_3] : memref<2048x2048xbf16, #tpu.memory_space<vmem>>, vector<2048x2048xbf16>
    %dot_general3A = arith.constant dense<0.000000e+00> : vector<512x2048xf32>
    %dot_general3A_5 = tpu.matmul %convert_element_type3A, %get3A_4, %dot_general3A {dimension_numbers = #tpu.dot_dimension_numbers<[1], [1], [0], [0], [0, 0, 1, 0], [], []>, transpose_lhs_hint = false} : vector<512x2048xbf16>, vector<2048x2048xbf16>, vector<512x2048xf32> -> vector<512x2048xf32>
    %convert_element_type3A_6 = arith.truncf %dot_general3A_5 : vector<512x2048xf32> to vector<512x2048xbf16>
    %swap3A = arith.constant 0 : index
    %swap3A_7 = arith.constant 0 : index
    %swap3A_8 = vector.load %arg3[%swap3A, %swap3A_7] : memref<512x2048xbf16, #tpu.memory_space<vmem>>, vector<512x2048xbf16>
    tpu.vector_store %arg3[%swap3A, %swap3A_7], %convert_element_type3A_6 {strides = array<i32>} : memref<512x2048xbf16, #tpu.memory_space<vmem>>, vector<512x2048xbf16>,
    return
  }
  func.func @transform_0(%arg0: i32) -> (i32, i32) {
    %c0_i32 = arith.constant 0 : i32
    %c0_i32_0 = arith.constant 0 : i32
    return %arg0, %c0_i32 : i32, i32
  }
  func.func @transform_1(%arg0: i32) -> (i32, i32) {
    %c0_i32 = arith.constant 0 : i32
    %c0_i32_0 = arith.constant 0 : i32
    %c0_i32_1 = arith.constant 0 : i32
    return %c0_i32, %c0_i32_0 : i32, i32
  }
  func.func @transform_2(%arg0: i32) -> (i32, i32) {
    %c0_i32 = arith.constant 0 : i32
    %c0_i32_0 = arith.constant 0 : i32
    return %arg0, %c0_i32 : i32, i32
  }
}

module attributes {stable_mosaic.version = 14 : i64} {
  func.func @_p1_body(%arg0: i32, %arg1: memref<512x2048xbf16, #tpu.memory_space<vmem>>, %arg2: memref<2048x2048xbf16, #tpu.memory_space<vmem>>, %arg3: memref<512x2048xf32, #tpu.memory_space<vmem>>, %arg4: memref<2048x512xbf16, #tpu.memory_space<vmem>>, %arg5: memref<512x512xf32, #tpu.memory_space<vmem>>, %arg6: memref<1x1xf32, #tpu.memory_space<smem>>, %arg7: memref<1x1xf32, #tpu.memory_space<smem>>) attributes {dimension_semantics = [#tpu.dimension_semantics<arbitrary>], iteration_bounds = array<i64: 4>, scalar_prefetch = 0 : i64, scratch_operands = 0 : i64, tpu.core_type = #tpu.core_type<tc>, window_params = [{transform_indices = @transform_0, window_bounds = array<i64: 512, 2048>}, {pipeline_mode = #tpu.pipeline_mode<synchronous>, transform_indices = @transform_1, window_bounds = array<i64: 2048, 2048>}, {transform_indices = @transform_2, window_bounds = array<i64: 512, 2048>}, {pipeline_mode = #tpu.pipeline_mode<synchronous>, transform_indices = @transform_3, window_bounds = array<i64: 2048, 512>}, {transform_indices = @transform_4, window_bounds = array<i64: 512, 512>}, {transform_indices = @transform_5, window_bounds = array<i64: 1, 1>}, {transform_indices = @transform_6, window_bounds = array<i64: 1, 1>}]} {
    %eq3A = arith.constant 0 : i32
    %eq3A_0 = arith.cmpi eq, %arg0, %eq3A : i32
    %convert_element_type3A = arith.extui %eq3A_0 : i1 to i32
    %cond3A = arith.constant 0 : i32
    %cond3A_1 = arith.cmpi ne, %convert_element_type3A, %cond3A : i32
    scf.if %cond3A_1 {
      %swap3A_45 = arith.constant 0.000000e+00 : f32
      %swap3A_46 = arith.constant 0 : index
      %swap3A_47 = arith.constant 0 : index
      %swap3A_48 = memref.load %arg6[%swap3A_46, %swap3A_47] : memref<1x1xf32, #tpu.memory_space<smem>>
      memref.store %swap3A_45, %arg6[%swap3A_46, %swap3A_47] : memref<1x1xf32, #tpu.memory_space<smem>>
      %swap3A_49 = arith.constant 0.000000e+00 : f32
      %swap3A_50 = arith.constant 0 : index
      %swap3A_51 = arith.constant 0 : index
      %swap3A_52 = memref.load %arg7[%swap3A_50, %swap3A_51] : memref<1x1xf32, #tpu.memory_space<smem>>
      memref.store %swap3A_49, %arg7[%swap3A_50, %swap3A_51] : memref<1x1xf32, #tpu.memory_space<smem>>
    } else {
    }
    %get3A = arith.constant 0 : index
    %get3A_2 = arith.constant 0 : index
    %get3A_3 = vector.load %arg1[%get3A, %get3A_2] : memref<512x2048xbf16, #tpu.memory_space<vmem>>, vector<512x2048xbf16>
    %get3A_4 = arith.constant 0 : index
    %get3A_5 = arith.constant 0 : index
    %get3A_6 = vector.load %arg2[%get3A_4, %get3A_5] : memref<2048x2048xbf16, #tpu.memory_space<vmem>>, vector<2048x2048xbf16>
    %dot_general3A = arith.constant dense<0.000000e+00> : vector<512x2048xf32>
    %dot_general3A_7 = tpu.matmul %get3A_3, %get3A_6, %dot_general3A {dimension_numbers = #tpu.dot_dimension_numbers<[1], [0], [0], [1], [0, 0, 1, 1], [], []>, transpose_lhs_hint = false} : vector<512x2048xbf16>, vector<2048x2048xbf16>, vector<512x2048xf32> -> vector<512x2048xf32>
    %get3A_8 = arith.constant 0 : index
    %get3A_9 = arith.constant 0 : index
    %get3A_10 = vector.load %arg3[%get3A_8, %get3A_9] : memref<512x2048xf32, #tpu.memory_space<vmem>>, vector<512x2048xf32>
    %sub3A = arith.subf %get3A_10, %dot_general3A_7 : vector<512x2048xf32>
    %get3A_11 = arith.constant 0 : index
    %get3A_12 = arith.constant 0 : index
    %get3A_13 = memref.load %arg6[%get3A_11, %get3A_12] : memref<1x1xf32, #tpu.memory_space<smem>>
    %mul3A = arith.mulf %sub3A, %sub3A : vector<512x2048xf32>
    %reduce_sum3A = vector.shape_cast %mul3A : vector<512x2048xf32> to vector<1x512x2048xf32>
    %reduce_sum3A_14 = arith.constant dense<0.000000e+00> : vector<1xf32>
    %reduce_sum3A_15 = vector.multi_reduction <add>, %reduce_sum3A, %reduce_sum3A_14 [1, 2] : vector<1x512x2048xf32> to vector<1xf32>
    %reduce_sum3A_16 = vector.shape_cast %reduce_sum3A_15 : vector<1xf32> to vector<1x1x1xf32>
    %reduce_sum3A_17 = vector.extract %reduce_sum3A_16[0, 0, 0] : f32 from vector<1x1x1xf32>
    %add3A = arith.addf %get3A_13, %reduce_sum3A_17 : f32
    %swap3A = arith.constant 0 : index
    %swap3A_18 = arith.constant 0 : index
    %swap3A_19 = memref.load %arg6[%swap3A, %swap3A_18] : memref<1x1xf32, #tpu.memory_space<smem>>
    memref.store %add3A, %arg6[%swap3A, %swap3A_18] : memref<1x1xf32, #tpu.memory_space<smem>>
    %get3A_20 = arith.constant 0 : index
    %get3A_21 = arith.constant 0 : index
    %get3A_22 = vector.load %arg5[%get3A_20, %get3A_21] : memref<512x512xf32, #tpu.memory_space<vmem>>, vector<512x512xf32>
    %get3A_23 = arith.constant 0 : index
    %get3A_24 = arith.constant 0 : index
    %get3A_25 = vector.load %arg1[%get3A_23, %get3A_24] : memref<512x2048xbf16, #tpu.memory_space<vmem>>, vector<512x2048xbf16>
    %get3A_26 = arith.constant 0 : index
    %get3A_27 = arith.constant 0 : index
    %get3A_28 = vector.load %arg4[%get3A_26, %get3A_27] : memref<2048x512xbf16, #tpu.memory_space<vmem>>, vector<2048x512xbf16>
    %dot_general3A_29 = arith.constant dense<0.000000e+00> : vector<512x512xf32>
    %dot_general3A_30 = tpu.matmul %get3A_25, %get3A_28, %dot_general3A_29 {dimension_numbers = #tpu.dot_dimension_numbers<[1], [0], [0], [1], [0, 0, 1, 1], [], []>, transpose_lhs_hint = false} : vector<512x2048xbf16>, vector<2048x512xbf16>, vector<512x512xf32> -> vector<512x512xf32>
    %sub3A_31 = arith.subf %get3A_22, %dot_general3A_30 : vector<512x512xf32>
    %get3A_32 = arith.constant 0 : index
    %get3A_33 = arith.constant 0 : index
    %get3A_34 = memref.load %arg7[%get3A_32, %get3A_33] : memref<1x1xf32, #tpu.memory_space<smem>>
    %mul3A_35 = arith.mulf %sub3A_31, %sub3A_31 : vector<512x512xf32>
    %reduce_sum3A_36 = vector.shape_cast %mul3A_35 : vector<512x512xf32> to vector<1x512x512xf32>
    %reduce_sum3A_37 = arith.constant dense<0.000000e+00> : vector<1xf32>
    %reduce_sum3A_38 = vector.multi_reduction <add>, %reduce_sum3A_36, %reduce_sum3A_37 [1, 2] : vector<1x512x512xf32> to vector<1xf32>
    %reduce_sum3A_39 = vector.shape_cast %reduce_sum3A_38 : vector<1xf32> to vector<1x1x1xf32>
    %reduce_sum3A_40 = vector.extract %reduce_sum3A_39[0, 0, 0] : f32 from vector<1x1x1xf32>
    %add3A_41 = arith.addf %get3A_34, %reduce_sum3A_40 : f32
    %swap3A_42 = arith.constant 0 : index
    %swap3A_43 = arith.constant 0 : index
    %swap3A_44 = memref.load %arg7[%swap3A_42, %swap3A_43] : memref<1x1xf32, #tpu.memory_space<smem>>
    memref.store %add3A_41, %arg7[%swap3A_42, %swap3A_43] : memref<1x1xf32, #tpu.memory_space<smem>>
    return
  }
  func.func @transform_0(%arg0: i32) -> (i32, i32) {
    %c0_i32 = arith.constant 0 : i32
    %c0_i32_0 = arith.constant 0 : i32
    return %arg0, %c0_i32 : i32, i32
  }
  func.func @transform_1(%arg0: i32) -> (i32, i32) {
    %c0_i32 = arith.constant 0 : i32
    %c0_i32_0 = arith.constant 0 : i32
    %c0_i32_1 = arith.constant 0 : i32
    return %c0_i32, %c0_i32_0 : i32, i32
  }
  func.func @transform_2(%arg0: i32) -> (i32, i32) {
    %c0_i32 = arith.constant 0 : i32
    %c0_i32_0 = arith.constant 0 : i32
    return %arg0, %c0_i32 : i32, i32
  }
  func.func @transform_3(%arg0: i32) -> (i32, i32) {
    %c0_i32 = arith.constant 0 : i32
    %c0_i32_0 = arith.constant 0 : i32
    %c0_i32_1 = arith.constant 0 : i32
    return %c0_i32, %c0_i32_0 : i32, i32
  }
  func.func @transform_4(%arg0: i32) -> (i32, i32) {
    %c0_i32 = arith.constant 0 : i32
    %c0_i32_0 = arith.constant 0 : i32
    return %arg0, %c0_i32 : i32, i32
  }
  func.func @transform_5(%arg0: i32) -> (i32, i32) {
    %c0_i32 = arith.constant 0 : i32
    %c0_i32_0 = arith.constant 0 : i32
    %c0_i32_1 = arith.constant 0 : i32
    return %c0_i32, %c0_i32_0 : i32, i32
  }
  func.func @transform_6(%arg0: i32) -> (i32, i32) {
    %c0_i32 = arith.constant 0 : i32
    %c0_i32_0 = arith.constant 0 : i32
    %c0_i32_1 = arith.constant 0 : i32
    return %c0_i32, %c0_i32_0 : i32, i32
  }
}

</mosaic_0001>

<sc_bundles>
// kernel: gather_offload_async_start
scs
__scs_entry_jumppad:
0x0: {  	(pc) =	sbr.rel $0x88, $3  }
0x1: {  	(tag) =	ssettag $0x0;
	lr =	simm.s32 $0x1  }
0x2: {  	[smem:$0x3F97] =	sst lr;
	_ =	strace $0xD0000000  }
0x3: {  	_ = 	snop  }
0x4: {  	_ = 	snop  }
0x5: {  	_ = 	snop  }
0x6: {  	_ = 	snop  }
0x7: {  	_ = 	snop  }
__scs_overlays_trampoline_lowered:
0x8: {  	[smem:$0x3FA6] =	sst s0  }
0x9: {  	[smem:$0x3FA7] =	sst s1  }
0xa: {  	[smem:$0x3FA8] =	sst s2  }
0xb: {  	[smem:$0x3FA9] =	sst s3  }
0xc: {  	[smem:$0x3FAA] =	sst s4  }
0xd: {  	[smem:$0x3FAB] =	sst s5  }
0xe: {  	[smem:$0x3FAC] =	sst s6  }
0xf: {  	[smem:$0x3FAD] =	sst s7  }
0x10: {  	[smem:$0x3FAE] =	sst s8  }
0x11: {  	[smem:$0x3FAF] =	sst s9;
	s0 =	simm.s32 @!p0 $0x0  }
0x12: {  	s1 =	sld [smem:$0x3F95];
	s0 =	simm.s32 @p0 $0x1  }
0x13: {  	[smem:$0x3FB0] =	sst s0;
	s0 =	simm.s32 @!p1 $0x0  }
0x14: {  	s2 =	sld [smem:$0x3F94];
	s0 =	simm.s32 @p1 $0x1  }
0x15: {  	[smem:$0x3FB1] =	sst s0;
	s0 =	simm.s32 @!p2 $0x0  }
0x16: {  	s3 =	sld [smem:$0x3FDB];
	s0 =	simm.s32 @p2 $0x1  }
0x17: {  	s4 =	simm.s32 $0x1BF5;
	[smem:$0x3FB3] =	sst s0  }
0x18: {  	s0 =	sld [smem:$0x3F96];
	_ =	swait.ge [sflag:s4], $0x0  }
0x19: {  	s7 =	sld [smem:$0x3F97]  }
0x1a: {  	s8 =	sadd.s32 $0xFFFFE003, lr  }
0x1b: {  	s9 =	sadd.s32 $0xFFFFFEF7, lr;
	s5 =	simm.s32 $0xFFFFFFFF;
	p2 =	slt.u32 s8, $0xFFFFF086  }
0x1c: {  	p1 =	slt.u32 s9, $0xF7A;
	s5 =	simm.s32 @!p2 $0x0  }
0x1d: {  	s5 =	simm.s32 @p1 $0x1;
	p0 =	seq.s32 s7, s2  }
0x1e: {  	s7 =	smul.u32 @!p0 $0xF7A, s2;
	p2 =	seq.s32 @!p0 s5, $0x0  }
0x1f: {  	s9 =	smul.u32 $0xF7A, s1;
	s8 =	simm.s32 @!p0 $0x1BF5;
	p2 =	por !p2, p0  }
0x20: {  	[sflag:s8] =	ssyncset.s32 @!p0 $0xFFFFF086;
	s6 =	sadd.s32 @!p0 s3, s7;
	s7 =	simm.s32 @!p0 $0x108  }
0x21: {  	s3 =	sadd.s32 s3, s9;
	s6 =	sadd.s32 @!p0 $0x88, s6;
	s7 =	simm.s32 @p2 $0x1082  }
0x22: {  	[simem:s7], [sflag:s8] =	dma.local @!p0 [hbm:s6], $0xF7A  }
0x23: {  	s9 =	sor.u32 $0xD0000000, s2;
	s6 =	simm.s32 $0x108;
	_ =	swait.ge @!p0 [sflag:s8], $0x0  }
0x24: {  	s3 =	sadd.s32 $0x88, s3;
	s6 =	simm.s32 @!p1 $0x1082;
	[sflag:s4] =	ssyncset.s32 $0xFFFFF086  }
0x25: {  	[simem:s6], [sflag:s4] =	dma.local [hbm:s3], $0xF7A  }
0x26: {  	[smem:$0x3F97] =	sst s1;
	(tag) =	ssettag s2;
	_ =	strace s9  }
0x27: {  	s1 =	sld [smem:$0x3FA7]  }
0x28: {  	s2 =	sld [smem:$0x3FA8]  }
0x29: {  	s4 =	sld [smem:$0x3FAA]  }
0x2a: {  	p0 =	seq.s32 s5, $0x0;
	s5 =	sld [smem:$0x3FAB]  }
0x2b: {  	s6 =	sld [smem:$0x3FAC]  }
0x2c: {  	s7 =	sld [smem:$0x3FAD]  }
0x2d: {  	s3 =	simm.s32 $0x108;
	s8 =	sld [smem:$0x3FAE]  }
0x2e: {  	s3 =	simm.s32 @!p0 $0x1082;
	s9 =	sld [smem:$0x3FAF]  }
0x2f: {  	lr =	sadd.s32 s0, s3;
	s0 =	sld [smem:$0x3FA6]  }
0x30: {  	s3 =	sld [smem:$0x3FA9]  }
0x31: {  	[smem:$0x3FB2] =	sst s10  }
0x32: {  	s10 =	sld [smem:$0x3FB0];
	_ =	sdelay $0x3  }
0x33: {  	p0 =	seq.s32 s10, $0x1;
	s10 =	sld [smem:$0x3FB2];
	_ =	sdelay $0x3  }
0x34: {  	[smem:$0x3FB2] =	sst s10  }
0x35: {  	s10 =	sld [smem:$0x3FB1];
	_ =	sdelay $0x3  }
0x36: {  	p1 =	seq.s32 s10, $0x1;
	s10 =	sld [smem:$0x3FB2];
	_ =	sdelay $0x3  }
0x37: {  	[smem:$0x3FB2] =	sst s10  }
0x38: {  	s10 =	sld [smem:$0x3FB3]  }
0x39: {  	_ = 	snop;
	(pc) =	sbr.ind lr, $3  }
0x3a: {  	_ = 	snop  }
0x3b: {  	_ = 	snop  }
0x3c: {  	p2 =	seq.s32 s10, $0x1;
	s10 =	sld [smem:$0x3FB2]  }
0x3d: {  	_ =	shalt  }
0x3e: {  	_ =	shalt  }
0x3f: {  	_ =	shalt  }
0x40: {  	_ =	shalt  }
0x41: {  	_ =	shalt  }
0x42: {  	_ =	shalt  }
0x43: {  	_ =	shalt  }
0x44: {  	_ =	shalt  }
0x45: {  	_ =	shalt  }
0x46: {  	_ =	shalt  }
0x47: {  	_ =	shalt  }
0x48: {  	_ =	shalt  }
0x49: {  	_ =	shalt  }
0x4a: {  	_ =	shalt  }
0x4b: {  	_ =	shalt  }
0x4c: {  	_ =	shalt  }
0x4d: {  	_ =	shalt  }
0x4e: {  	_ =	shalt  }
0x4f: {  	_ =	shalt  }
0x50: {  	_ =	shalt  }
0x51: {  	_ =	shalt  }
0x52: {  	_ =	shalt  }
0x53: {  	_ =	shalt  }
0x54: {  	_ =	shalt  }
0x55: {  	_ =	shalt  }
0x56: {  	_ =	shalt  }
0x57: {  	_ =	shalt  }
0x58: {  	_ =	shalt  }
0x59: {  	_ =	shalt  }
0x5a: {  	_ =	shalt  }
0x5b: {  	_ =	shalt  }
0x5c: {  	_ =	shalt  }
0x5d: {  	_ =	shalt  }
0x5e: {  	_ =	shalt  }
0x5f: {  	_ =	shalt  }
0x60: {  	_ =	shalt  }
0x61: {  	_ =	shalt  }
0x62: {  	_ =	shalt  }
0x63: {  	_ =	shalt  }
0x64: {  	_ =	shalt  }
0x65: {  	_ =	shalt  }
0x66: {  	_ =	shalt  }
0x67: {  	_ =	shalt  }
0x68: {  	_ =	shalt  }
0x69: {  	_ =	shalt  }
0x6a: {  	_ =	shalt  }
0x6b: {  	_ =	shalt  }
0x6c: {  	_ =	shalt  }
0x6d: {  	_ =	shalt  }
0x6e: {  	_ =	shalt  }
0x6f: {  	_ =	shalt  }
0x70: {  	_ =	shalt  }
0x71: {  	_ =	shalt  }
0x72: {  	_ =	shalt  }
0x73: {  	_ =	shalt  }
0x74: {  	_ =	shalt  }
0x75: {  	_ =	shalt  }
0x76: {  	_ =	shalt  }
0x77: {  	_ =	shalt  }
0x78: {  	_ =	shalt  }
0x79: {  	_ =	shalt  }
0x7a: {  	_ =	shalt  }
0x7b: {  	_ =	shalt  }
0x7c: {  	_ =	shalt  }
0x7d: {  	_ =	shalt  }
0x7e: {  	_ =	shalt  }
0x7f: {  	_ =	shalt  }
0x80: {  	_ =	shalt  }
0x81: {  	_ =	shalt  }
0x82: {  	_ =	shalt  }
0x83: {  	_ =	shalt  }
0x84: {  	_ =	shalt  }
0x85: {  	_ =	shalt  }
0x86: {  	_ =	shalt  }
0x87: {  	_ =	shalt  }
.Lfunc_end0:
.L_simem_size_0:
called_computation_lowered:
.L_overlay_start_0:
0x88: {  	s2 =	sld [smem:$0x3FD9]  }
0x89: {  	s3 =	sld [smem:$0x3FFE];
	_ =	sdelay $0x1  }
0x8a: {  	s1 =	srdreg.scid  }
0x8b: {  	s0 =	sand.u32 $0x1, s1  }
0x8c: {  	s16 =	sshll.u32 s0, $0xA;
	s2 =	sadd.s32 s3, s2  }
0x8d: {  	s2 =	sadd.s32 s2, s16  }
0x8e: {  	[smem:$0x3FBE] =	sst s2  }
0x8f: {  	_ = 	snop  }
0x90: {  	(tm) =	ssettm $0x1  }
0x91: {  	s17 =	sld [smem:$0x3FFB];
	_ =	sdelay $0x3  }
0x92: {  	_ =	strace s17  }
0x93: {  	s2 =	sld [smem:$0x3FFC];
	_ =	sdelay $0x3  }
0x94: {  	_ =	strace s2  }
0x95: {  	s2 =	sld [smem:$0x3FFD];
	_ =	sdelay $0x3  }
0x96: {  	_ =	strace s2  }
0x97: {  	_ =	strace $0x8FFFFFFF  }
0x98: {  	s18 =	sld [smem:$0x3FDB];
	_ =	sdelay $0x1  }
0x99: {  	s19 =	simm.s32 $_scs_section_size  }
0x9a: {  	s4 =	simm.s32 $_size__tile_overlayer_lowered;
	s5 =	simm.s32 $_tile_overlayer_lowered  }
0x9b: {  	s22 =	simm.s32 $0x1BFF;
	s21 =	sshll.u32 s5, $0x1;
	s2 =	sadd.s32 s19, s18  }
0x9c: {  	s6 =	simm.s32 $0x0;
	s20 =	sshll.u32 s4, $0x1;
	s4 =	sadd.s32 s21, s2  }
0x9d: {  	[timem:s6], [sflag:s22] =	dma.local [hbm:s4], s20  }
0x9e: {  	_ =	swait.ge [sflag:s22], s20  }
0x9f: {  	s3 =	ssub.s32 $0x0, s20;
	[sflag:s22] =	ssyncset.done $0x0  }
0xa0: {  	[sflag:s22] =	ssyncadd.s32 s3;
	_ =	sdelay $0x1  }
0xa1: {  	s23 =	simm.s32 $0x1B8B  }
0xa2: {  	_ =	swait.ge [sflag:s23], $0x1  }
0xa3: {  	[sflag:s23] =	ssyncset.done $0x0  }
0xa4: {  	s25 =	simm.s32 $0x1B8E;
	s24 =	sld [smem:$0x3FFE];
	[sflag:s23] =	ssyncadd.s32 $0xFFFFFFFF  }
0xa5: {  	s26 =	simm.s32 $execute0_lowered;
	[smem:$0x3FD2] =	sst s25  }
0xa6: {  	s4 =	sshll.u32 s26, $0x1;
	_ =	strace $0x80000046;
	[dreg:$0x1] =	wrdreg $0xFFFFFFFF  }
0xa7: {  	s28 =	simm.s32 $_size_execute0_lowered;
	s2 =	sadd.s32 s2, s4;
	[dreg:$0x0] =	wrdreg $0x0  }
0xa8: {  	s4 =	sshll.u32 s28, $0x1;
	[dreg:$0x2] =	wrdreg s2  }
0xa9: {  	[dreg:$0x3] =	wrdreg s4  }
0xaa: {  	[dreg:$0x4] =	wrdreg $0xC0  }
0xab: {  	_ =	task [dreg:s6], $0x5FFFF  }
0xac: {  	[dreg:$0x1] =	wrdreg $0xFFFFFFFF  }
0xad: {  	[dreg:$0x0] =	wrdreg $0x60  }
0xae: {  	[dreg:$0x2] =	wrdreg s24  }
0xaf: {  	[dreg:$0x3] =	wrdreg $0x9  }
0xb0: {  	_ =	task.clear_ibuf [dreg:s6], $0x4FFFF;
	_ =	strace $0x90000046  }
0xb1: {  	s29 =	simm.s32 $0x9;
	_ =	strace $0x80000048  }
0xb2: {  	_ =	swait.ge [sflag:s29], $0x1  }
0xb3: {  	[sflag:s29] =	ssyncadd.s32 $0xFFFFFFFF  }
0xb4: {  	_ =	strace $0x90000048  }
0xb5: {  	_ =	sfence  }
0xb6: {  	s30 =	sld [smem:$0x0];
	_ =	sdelay $0x2  }
0xb7: {  	s31 =	sshll.u32 s1, $0xD;
	s1 =	sshrl.u32 s1, $0x2  }
0xb8: {  	s3 =	sand.u32 $0x4000, s31;
	s1 =	sadd.s32 s1, s30  }
0xb9: {  	s0 =	sor.u32 s3, s0;
	s1 =	sshll.u32 s1, $0x11  }
0xba: {  	s0 =	sor.u32 s1, s0  }
0xbb: {  	s0 =	sadd.s32 $0x8F2B, s0  }
0xbc: {  	[sflag:s0] =	ssyncadd.remote.s32 $0x1  }
0xbd: {  	_ =	sfence.sel $0xFFFF  }
0xbe: {  	[dreg:$0x0] =	wrdreg $0xFFFFFFFF;
	(pc) =	sbr.abs _section_cstart, $3  }
0xbf: {  	[dreg:$0x1] =	wrdreg $0xFFFFFFFF  }
0xc0: {  	_ =	task.clear_ibuf [dreg:s6], $0x2FFFF;
	_ =	strace $0x9FFFFFFF  }
0xc1: {  	(tm) =	ssettm $0x7FFFFFFF  }
tec
execute0_lowered:
.L_overlay_start_1:
0x0: {  	(tag) =	ssettag $0x1  }
0x1: {  	s0 =	srdreg.scid  }
0x2: {  	s1 =	sshll.u32 s0, $0x4  }
0x3: {  	s0 =	stileid.u32;
	s1 =	sand.u32 $0x10, s1  }
0x4: {  	s2 =	sor.u32 s0, s1  }
0x5: {  	s1 =	sshll.u32 s1, $0x3;
	s2 =	smin.u32 s2, $0x10  }
0x6: {  	s9 =	rddreg [dreg:$0x0];
	s1 =	sxor.u32 $0x80, s1;
	s2 =	sshll.u32 s2, $0x7  }
0x7: {  	s6 =	simm.s32 $0x1;
	s7 =	simm.s32 $0x2;
	s1 =	sadd.s32 s1, s2  }
0x8: {  	s10 =	simm.s32 $0x3;
	s13 =	simm.s32 $0x0;
	s3 =	smin.u32 s1, $0x800  }
0x9: {  	s12 =	simm.s32 $0x0;
	s4 =	sadd.s32 $0x1000, s9;
	s8 =	ssub.s32 s3, s2  }
.Ltmp0:
0xa: {  	s5 =	sadd.s32 $0xE00, s9;
	p0 =	sgt.s32 s8, $0x0;
	(pc) =	sbr.rel .LBB2_1-.Ltmp0, $4  }
0xb: {  	s1 =	rddreg [dreg:$0x1];
	_ =	strace $0x80000047;
	s8 =	simm.s32 @!p0 $0x0  }
0xc: {  	s9 =	sadd.s32 $0x11000, s9;
	[sflag:s6] =	ssyncpa.u1 $0x0;
	s8 =	sadd.s32 $0x7F, s8  }
0xd: {  	s11 =	smov.u32 s2;
	[sflag:s7] =	ssyncpa.u1 $0x0;
	s8 =	sshrl.u32 s8, $0x7  }
0xe: {  	vm0 =	vmmov $0xffff;
	[sflag:s10] =	ssyncpa.u1 $0x0;
	p0 =	por $0x0, $0x0;
	s10 =	sadd.s32 $0x1, s8  }
.LBB2_6:
0xf: {  	[hbm:s17] =	stream.linear.scatter [tilespmem:s14], [sflag:$0x3], $0x100, $0x38;
	[tilespmem:$0x10100] =	vst v63  }
.LBB2_7:
0x10: {  	s13 =	sadd.s32 $0x80, s11  }
0x11: {  	s15 =	smov.u32 s2;
	p2 =	slt.s32 s13, s3  }
0x12: {  	s15 =	smov.u32 @p2 s13;
	p2 =	sne.s32 s12, s10  }
.Ltmp1:
0x13: {  	p1 =	slt.u32 s12, $0x2;
	(pc) =	sbr.rel @!p2 .LBB2_8-.Ltmp1, $4  }
0x14: {  	s14 =	simm.s32 @!p1 $0x3  }
0x15: {  	s16 =	sadd.s32 $0x1, s12;
	_ =	swait.ge @!p1 [sflag:s14], $0x8000  }
0x16: {  	p0 =	por !p0, !p0;
	s13 =	smov.u32 s11;
	[sflag:s14] =	ssyncset.done @!p1 $0x0  }
0x17: {  	s12 =	smov.u32 s16;
	s11 =	smov.u32 s15;
	[sflag:s14] =	ssyncadd.s32 @!p1 $0xFFFF8000  }
.LBB2_1:
0x18: {  	p1 =	sge.u32 s12, s8  }
0x19: {  	s14 =	sxor.u32 @!p1 $0xFFFFFFFF, s12  }
0x1a: {  	s31 =	sadd.s32 $0xFFFFFFFF, s12;
	s15 =	sshrl.u32 @!p1 s11, $0x3;
	s14 =	sshll.u32 @!p1 s14, $0x7  }
0x1b: {  	s16 =	sand.u32 @!p1 $0x7, s11;
	s15 =	sadd.s32 @!p1 s5, s15;
	s14 =	sand.u32 @!p1 $0x80, s14  }
0x1c: {  	[tilespmem:s14], [sflag:$0x2] =	stream.linear.gather @!p1 [hbm4b:s15+s16], $0x80, $0x38;
	[tilespmem:$0x10100] =	vst v63  }
0x1d: {  	p1 =	sge.u32 s31, s8  }
.Ltmp2:
0x1e: {  	_ = 	snop;
	(pc) =	sbr.rel @p1 .LBB2_7-.Ltmp2, $1  }
0x1f: {  	_ =	sdelay $0x3  }
0x20: {  	s14 =	simm.s32 $0x1  }
0x21: {  	_ =	swait.ge [sflag:s7], $0x80;
	s14 =	simm.s32 @!p0 $0x0  }
0x22: {  	[sflag:s7] =	ssyncset.done $0x0;
	s15 =	sshll.u32 s14, $0x7  }
0x23: {  	[sflag:s7] =	ssyncadd.s32 $0xFFFFFF80;
	s16 =	sadd.s32 $0x0, s15  }
0x24: {  	v0 =	vld.msk [tilespmem:s16+$0x0 ss:$0x1], $0xffff;
	_ =	sdelay $0x4  }
0x25: {  	vm1 =	vgt.s32 v0, $0x0  }
0x26: {  	v0 =	vnsel vm1, $0x0, v0  }
0x27: {  	v0 =	vmin.u32 v0, $0x7FF  }
0x28: {  	v0 =	vshll.u32 v0, $0x5;
	_ =	sdelay $0x2  }
0x29: {  	s14 =	sshll.u32 s14, $0xF  }
0x2a: {  	s14 =	sor.u32 $0x100, s14;
	s31 =	sadd.s32 $0x10, s15  }
0x2b: {  	[tilespmem:s14], [sflag:$0x1] =	stream.indirect_vreg.gather [hbm:s4], $0x100, v0, vm0, $0x38;
	[tilespmem:$0x10100] =	vst v63  }
0x2c: {  	s17 =	simm.s32 $0x80;
	s16 =	smov.u32 s14;
	v0 =	vld.msk [tilespmem:s31+$0x0 ss:$0x1], $0xffff  }
.LBB2_3:
0x2d: {  	p1 =	sne.s32 s17, $0x1C0;
	_ =	sdelay $0x4  }
0x2e: {  	vm1 =	vgt.s32 v0, $0x0  }
0x2f: {  	v0 =	vnsel vm1, $0x0, v0  }
0x30: {  	v0 =	vmin.u32 v0, $0x7FF  }
0x31: {  	v0 =	vshll.u32 v0, $0x5;
	_ =	sdelay $0x1  }
.Ltmp3:
0x32: {  	(pc) =	sbr.rel @p1 .LBB2_3-.Ltmp3, $4  }
0x33: {  	s18 =	sshra.s32 s17, $0x2  }
0x34: {  	s16 =	sadd.s32 $0x1000, s16;
	s18 =	sadd.s32 s18, s15  }
0x35: {  	[tilespmem:s16], [sflag:$0x1] =	stream.indirect_vreg.gather [hbm:s4], $0x100, v0, vm0, $0x38;
	[tilespmem:$0x10100] =	vst v63  }
0x36: {  	s17 =	sadd.s32 $0x40, s17;
	v0 =	vld.msk [tilespmem:s18+$0x0 ss:$0x1], $0xffff  }
0x37: {  	_ =	sdelay $0x3  }
0x38: {  	vm1 =	vgt.s32 v0, $0x0  }
0x39: {  	v0 =	vnsel vm1, $0x0, v0  }
0x3a: {  	v0 =	vmin.u32 v0, $0x7FF  }
0x3b: {  	v0 =	vshll.u32 v0, $0x5;
	_ =	sdelay $0x3  }
0x3c: {  	s15 =	sadd.s32 $0x1000, s16  }
0x3d: {  	[tilespmem:s15], [sflag:$0x1] =	stream.indirect_vreg.gather [hbm:s4], $0x100, v0, vm0, $0x38;
	[tilespmem:$0x10100] =	vst v63  }
0x3e: {  	s13 =	sshll.u32 s13, $0x5;
	_ =	swait.ge [sflag:s6], $0x8000  }
0x3f: {  	s16 =	sadd.s32 $0x100, s14;
	s13 =	sadd.s32 s13, s9;
	[sflag:s6] =	ssyncset.done $0x0  }
0x40: {  	s17 =	sadd.s32 $0x0, s13;
	s15 =	simm.s32 $0x20;
	[sflag:s6] =	ssyncadd.s32 $0xFFFF8000  }
.LBB2_5:
0x41: {  	[hbm:s17] =	stream.linear.scatter [tilespmem:s14], [sflag:$0x3], $0x100, $0x38;
	[tilespmem:$0x10100] =	vst v63  }
0x42: {  	s17 =	smov.u32 s15;
	s14 =	smov.u32 s16;
	p1 =	sne.s32 s15, $0xFE0  }
.Ltmp4:
0x43: {  	s15 =	sadd.s32 $0x20, s15;
	(pc) =	sbr.rel @p1 .LBB2_5-.Ltmp4, $2  }
0x44: {  	_ =	sdelay $0x2  }
0x45: {  	s16 =	sadd.s32 $0x100, s16;
	s17 =	sadd.s32 s17, s13  }
.Ltmp5:
0x46: {  	_ = 	snop;
	(pc) =	sbr.rel .LBB2_6-.Ltmp5, $1  }
0x47: {  	_ =	sdelay $0x3  }
.LBB2_8:
0x48: {  	_ =	sfence.sel $0x180000  }
0x49: {  	s2 =	simm.s32 $0x2;
	[bflag:$0x0] =	sbarrier.arrive $0xFFFF  }
0x4a: {  	s30 =	simm.s32 $0x3;
	[sflag:s2] =	ssyncpa.u1 $0x1  }
0x4b: {  	s31 =	simm.s32 $0x1;
	[sflag:s30] =	ssyncpa.u1 $0x1  }
0x4c: {  	[sflag:s31] =	ssyncpa.u1 $0x1  }
0x4d: {  	p0 =	sne.s32 s0, $0x0;
	_ =	strace $0x90000047  }
0x4e: {  	s0 =	sadd.s32 @!p0 $0x100000, s1;
	[bflag:$0x2] =	sbarrier.arrive $0xFFFF  }
0x4f: {  	[sflag:s0] =	ssyncadd.tile.s32 @!p0 $0x1;
	_ =	shalt  }
.Lfunc_end2:
_tile_overlayer_lowered:
.L_overlay_start_2:
0x50: {  	(tag) =	ssettag $0x2  }
0x51: {  	s0 =	rddreg [dreg:$0x0];
	s2 =	stileid.u32  }
0x52: {  	s1 =	rddreg [dreg:$0x1];
	p0 =	sne.s32 s2, $0x0  }
0x53: {  	s3 =	rddreg [dreg:$0x2];
	[bflag:$0x3] =	sbarrier.arrive $0xFFFF;
	s2 =	simm.s32 @!p0 $0x1C01  }
0x54: {  	[timem:s3], [sflag:s2] =	dma.local @!p0 [hbm:s0], s1  }
0x55: {  	s0 =	simm.s32 @!p0 $0x1  }
0x56: {  	_ =	swait.ge @!p0 [sflag:s0], s1  }
0x57: {  	s1 =	ssub.s32 @!p0 $0x0, s1;
	[sflag:s0] =	ssyncset.done @!p0 $0x0  }
0x58: {  	[sflag:s0] =	ssyncadd.s32 @!p0 s1  }
0x59: {  	[bflag:$0x3] =	sbarrier.arrive $0xFFFF  }
0x5a: {  	_ =	shalt  }

</sc_bundles>
